<compile_context>
chip_gen: v7x
topology: tpu7x:2x2x1
jax: 0.10.2.dev20260603
libtpu: 0.0.44.dev20260713+nightly
codegen_flags: <defaults>
</compile_context>

<pallas_src>
import functools

import jax
import jax.numpy as jnp
from jax import lax
from jax.experimental import pallas as pl
from jax.experimental.pallas import tpu as pltpu
from jax.experimental.pallas import tpu_sc as plsc

NBUF = 4


def _build_sc_kernel(R, C, P):
    NC, NS, L = 2, 16, 16
    NW = NC * NS
    assert L == 16 and C % L == 0 and P % L == 0 and R % NW == 0
    RPW = R // NW
    CD16 = C // L
    assert RPW % 2 == 0
    G = RPW // 2
    assert G % NBUF == 0 and G >= NBUF
    PQ = P // L

    mesh = plsc.VectorSubcoreMesh(
        core_axis_name="c", subcore_axis_name="s", num_cores=NC
    )
    scratch = (
        [pltpu.VMEM((P,), jnp.int32)]
        + [pltpu.VMEM((2 * P,), jnp.int32) for _ in range(NBUF)]
        + [pltpu.VMEM((2 * P, L), jnp.float32) for _ in range(NBUF)]
        + [pltpu.VMEM((RPW, P), jnp.float32)]
        + [pltpu.SemaphoreType.DMA for _ in range(NBUF)]
    )

    @functools.partial(
        pl.kernel,
        mesh=mesh,
        out_type=jax.ShapeDtypeStruct((R, P), jnp.float32),
        scratch_types=scratch,
        compiler_params=pltpu.CompilerParams(
            needs_layout_passes=False, use_tc_tiling_on_sc=False
        ),
    )
    def sc_kernel(x16_hbm, probe_hbm, out_hbm, *bufs):
        probe_v = bufs[0]
        idxb = bufs[1:1 + NBUF]
        dstb = bufs[1 + NBUF:1 + 2 * NBUF]
        out_v = bufs[1 + 2 * NBUF]
        semb = bufs[2 + 2 * NBUF:2 + 3 * NBUF]

        wid = lax.axis_index("s") * NC + lax.axis_index("c")
        row0 = wid * RPW

        pltpu.sync_copy(probe_hbm, probe_v)
        iota = lax.iota(jnp.int32, L)
        pdiv = [jnp.right_shift(probe_v[pl.ds(q * L, L)], 4) for q in range(PQ)]
        pmod = [jnp.bitwise_and(probe_v[pl.ds(q * L, L)], 15) for q in range(PQ)]

        def fire(g, b):
            gr0 = (row0 + 2 * g) * CD16
            for h in range(2):
                base = gr0 + h * CD16
                for q in range(PQ):
                    idxb[b][pl.ds(h * P + q * L, L)] = pdiv[q] + base
            pltpu.async_copy(x16_hbm.at[idxb[b]], dstb[b], semb[b])

        def wait(b):
            pltpu.make_async_copy(
                x16_hbm.at[pl.ds(0, 2 * P)], dstb[b], semb[b]
            ).wait()

        def consume(g, b):
            r0 = 2 * g
            for h in range(2):
                for q in range(PQ):
                    v = plsc.load_gather(
                        dstb[b], [iota + (h * P + q * L), pmod[q]]
                    )
                    out_v[r0 + h, pl.ds(q * L, L)] = v * v

        for b in range(NBUF):
            fire(b, b)

        def round_body(t, carry):
            for b in range(NBUF):
                g = t * NBUF + b
                wait(b)
                consume(g, b)
                fire(g + NBUF, b)
            return carry

        lax.fori_loop(0, G // NBUF - 1, round_body, 0)

        for b in range(NBUF):
            g = G - NBUF + b
            wait(b)
            consume(g, b)

        pltpu.sync_copy(out_v, out_hbm.at[pl.ds(row0, RPW)])

    return sc_kernel


def kernel(x, probe_x):
    R, C = x.shape
    P = probe_x.shape[0]
    x16 = x.reshape(R * C // 16, 16)
    probe = probe_x.astype(jnp.int32)
    return _build_sc_kernel(R, C, P)(x16, probe)

# --- scband reference (transcript-rebuilt; emitter-appended) ---
"""Pipeline reference for scband-wave-intensity-probe-13838384627859 (READ-ONLY COPY).

The authoritative reference and input builder live on the scoring server;
editing this copy changes nothing except your own understanding.
"""

import jax, jax.numpy as jnp
import numpy as np

PROBE_X = jnp.array([0, 256, 512, 768, 1024, 1280, 1536, 1792, 2048, 2304, 2560, 2816, 3072, 3328, 3584, 3840, 4096, 4352, 4608, 4864, 5120, 5376, 5632, 5888, 6144, 6400, 6656, 6912, 7168, 7424, 7680, 7936, 8192, 8448, 8704, 8960, 9216, 9472, 9728, 9984, 10240, 10496, 10752, 11008, 11264, 11520, 11776, 12032, 12288, 12544, 12800, 13056, 13312, 13568, 13824, 14080, 14336, 14592, 14848, 15104, 15360, 15616, 15872, 16128], dtype=jnp.int64)

def setup_inputs(seed: int = 0) -> dict:
    key = jax.random.key(seed)
    x = jax.random.normal(key, (4096, 16384), dtype=jnp.float32)
    return {"x": x, "probe_x": PROBE_X}

def reference(x, probe_x):
    # WaveProbe.forward: gather along spatial axis 1
    gathered = jnp.take(x, probe_x, axis=1)
    # WaveIntensityProbe.forward: elementwise square (intensity)
    return gathered ** 2

if __name__ == "__main__":
    import jax
    _d = setup_inputs()
    print(jax.jit(kernel)(*tuple(_d.values())))

</pallas_src>

<mosaic_0001>
#map = affine_map<(d0, d1) -> (0, 0)>
#map1 = affine_map<(d0, d1) -> (0)>
module attributes {stable_mosaic.version = 14 : i64} {
  func.func @sc_kernel(%arg0: i32, %arg1: i32, %arg2: memref<4194304x16xf32, #tpu.memory_space<hbm>>, %arg3: memref<64xi32, #tpu.memory_space<hbm>>, %arg4: memref<4096x64xf32, #tpu.memory_space<hbm>>, %arg5: memref<64xi32, #tpu.memory_space<vmem>>, %arg6: memref<128xi32, #tpu.memory_space<vmem>>, %arg7: memref<128xi32, #tpu.memory_space<vmem>>, %arg8: memref<128xi32, #tpu.memory_space<vmem>>, %arg9: memref<128xi32, #tpu.memory_space<vmem>>, %arg10: memref<128x16xf32, #tpu.memory_space<vmem>>, %arg11: memref<128x16xf32, #tpu.memory_space<vmem>>, %arg12: memref<128x16xf32, #tpu.memory_space<vmem>>, %arg13: memref<128x16xf32, #tpu.memory_space<vmem>>, %arg14: memref<128x64xf32, #tpu.memory_space<vmem>>, %arg15: memref<!tpu.dma_semaphore, #tpu.memory_space<semaphore_mem>>, %arg16: memref<!tpu.dma_semaphore, #tpu.memory_space<semaphore_mem>>, %arg17: memref<!tpu.dma_semaphore, #tpu.memory_space<semaphore_mem>>, %arg18: memref<!tpu.dma_semaphore, #tpu.memory_space<semaphore_mem>>) attributes {dimension_semantics = [#tpu.dimension_semantics<core_parallel>, #tpu.dimension_semantics<subcore_parallel>], iteration_bounds = array<i64: 2, 16>, scalar_prefetch = 0 : i64, scratch_operands = 14 : i64, tpu.core_type = #tpu.core_type<sc_vector_subcore>, window_params = [{transform_indices = #map}, {transform_indices = #map1}, {transform_indices = #map}]} {
    %mul3A = arith.constant 2 : i32
    %mul3A_0 = arith.muli %arg1, %mul3A : i32
    %add3A = arith.addi %mul3A_0, %arg0 : i32
    %mul3A_1 = arith.constant 128 : i32
    %mul3A_2 = arith.muli %add3A, %mul3A_1 : i32
    "tpu.region"() ({
      %run_scoped3A = tpu.sem_alloc : memref<!tpu.dma_semaphore, #tpu.memory_space<semaphore_mem>>
      tpu.enqueue_dma source(%arg3 : memref<64xi32, #tpu.memory_space<hbm>>) target(%arg5 : memref<64xi32, #tpu.memory_space<vmem>>) target_semaphore(%run_scoped3A : memref<!tpu.dma_semaphore, #tpu.memory_space<semaphore_mem>>)
      tpu.wait_dma2 semaphore(%run_scoped3A : memref<!tpu.dma_semaphore, #tpu.memory_space<semaphore_mem>>) src(%arg3 : memref<64xi32, #tpu.memory_space<hbm>>) dst(%arg5 : memref<64xi32, #tpu.memory_space<vmem>>)
      tpu.yield
    }) : () -> ()
    %iota3A = tpu.iota {dimensions = array<i32: 0>} : vector<16xi32>
    %get3A = arith.constant 0 : index
    %get3A_3 = tpu.vector_load %arg5[%get3A] {strides = array<i32>} : memref<64xi32, #tpu.memory_space<vmem>>, vector<16xi32>,
    %shift_right_arithmetic3A = arith.constant 4 : i32
    %shift_right_arithmetic3A_4 = vector.broadcast %shift_right_arithmetic3A : i32 to vector<16xi32>
    %shift_right_arithmetic3A_5 = arith.shrsi %get3A_3, %shift_right_arithmetic3A_4 : vector<16xi32>
    %get3A_6 = arith.constant 16 : index
    %get3A_7 = tpu.vector_load %arg5[%get3A_6] {strides = array<i32>} : memref<64xi32, #tpu.memory_space<vmem>>, vector<16xi32>,
    %shift_right_arithmetic3A_8 = arith.constant 4 : i32
    %shift_right_arithmetic3A_9 = vector.broadcast %shift_right_arithmetic3A_8 : i32 to vector<16xi32>
    %shift_right_arithmetic3A_10 = arith.shrsi %get3A_7, %shift_right_arithmetic3A_9 : vector<16xi32>
    %get3A_11 = arith.constant 32 : index
    %get3A_12 = tpu.vector_load %arg5[%get3A_11] {strides = array<i32>} : memref<64xi32, #tpu.memory_space<vmem>>, vector<16xi32>,
    %shift_right_arithmetic3A_13 = arith.constant 4 : i32
    %shift_right_arithmetic3A_14 = vector.broadcast %shift_right_arithmetic3A_13 : i32 to vector<16xi32>
    %shift_right_arithmetic3A_15 = arith.shrsi %get3A_12, %shift_right_arithmetic3A_14 : vector<16xi32>
    %get3A_16 = arith.constant 48 : index
    %get3A_17 = tpu.vector_load %arg5[%get3A_16] {strides = array<i32>} : memref<64xi32, #tpu.memory_space<vmem>>, vector<16xi32>,
    %shift_right_arithmetic3A_18 = arith.constant 4 : i32
    %shift_right_arithmetic3A_19 = vector.broadcast %shift_right_arithmetic3A_18 : i32 to vector<16xi32>
    %shift_right_arithmetic3A_20 = arith.shrsi %get3A_17, %shift_right_arithmetic3A_19 : vector<16xi32>
    %get3A_21 = arith.constant 0 : index
    %get3A_22 = tpu.vector_load %arg5[%get3A_21] {strides = array<i32>} : memref<64xi32, #tpu.memory_space<vmem>>, vector<16xi32>,
    %and3A = arith.constant 15 : i32
    %and3A_23 = vector.broadcast %and3A : i32 to vector<16xi32>
    %and3A_24 = arith.andi %get3A_22, %and3A_23 : vector<16xi32>
    %get3A_25 = arith.constant 16 : index
    %get3A_26 = tpu.vector_load %arg5[%get3A_25] {strides = array<i32>} : memref<64xi32, #tpu.memory_space<vmem>>, vector<16xi32>,
    %and3A_27 = arith.constant 15 : i32
    %and3A_28 = vector.broadcast %and3A_27 : i32 to vector<16xi32>
    %and3A_29 = arith.andi %get3A_26, %and3A_28 : vector<16xi32>
    %get3A_30 = arith.constant 32 : index
    %get3A_31 = tpu.vector_load %arg5[%get3A_30] {strides = array<i32>} : memref<64xi32, #tpu.memory_space<vmem>>, vector<16xi32>,
    %and3A_32 = arith.constant 15 : i32
    %and3A_33 = vector.broadcast %and3A_32 : i32 to vector<16xi32>
    %and3A_34 = arith.andi %get3A_31, %and3A_33 : vector<16xi32>
    %get3A_35 = arith.constant 48 : index
    %get3A_36 = tpu.vector_load %arg5[%get3A_35] {strides = array<i32>} : memref<64xi32, #tpu.memory_space<vmem>>, vector<16xi32>,
    %and3A_37 = arith.constant 15 : i32
    %and3A_38 = vector.broadcast %and3A_37 : i32 to vector<16xi32>
    %and3A_39 = arith.andi %get3A_36, %and3A_38 : vector<16xi32>
    %add3A_40 = arith.constant 0 : i32
    %add3A_41 = arith.addi %mul3A_2, %add3A_40 : i32
    %mul3A_42 = arith.constant 1024 : i32
    %mul3A_43 = arith.muli %add3A_41, %mul3A_42 : i32
    %add3A_44 = arith.constant 0 : i32
    %add3A_45 = arith.addi %mul3A_43, %add3A_44 : i32
    %add3A_46 = vector.broadcast %add3A_45 : i32 to vector<16xi32>
    %add3A_47 = arith.addi %shift_right_arithmetic3A_5, %add3A_46 : vector<16xi32>
    %swap3A = arith.constant 0 : index
    %swap3A_48 = tpu.vector_load %arg6[%swap3A] {strides = array<i32>} : memref<128xi32, #tpu.memory_space<vmem>>, vector<16xi32>,
    tpu.vector_store %arg6[%swap3A], %add3A_47 {strides = array<i32>} : memref<128xi32, #tpu.memory_space<vmem>>, vector<16xi32>,
    %add3A_49 = vector.broadcast %add3A_45 : i32 to vector<16xi32>
    %add3A_50 = arith.addi %shift_right_arithmetic3A_10, %add3A_49 : vector<16xi32>
    %swap3A_51 = arith.constant 16 : index
    %swap3A_52 = tpu.vector_load %arg6[%swap3A_51] {strides = array<i32>} : memref<128xi32, #tpu.memory_space<vmem>>, vector<16xi32>,
    tpu.vector_store %arg6[%swap3A_51], %add3A_50 {strides = array<i32>} : memref<128xi32, #tpu.memory_space<vmem>>, vector<16xi32>,
    %add3A_53 = vector.broadcast %add3A_45 : i32 to vector<16xi32>
    %add3A_54 = arith.addi %shift_right_arithmetic3A_15, %add3A_53 : vector<16xi32>
    %swap3A_55 = arith.constant 32 : index
    %swap3A_56 = tpu.vector_load %arg6[%swap3A_55] {strides = array<i32>} : memref<128xi32, #tpu.memory_space<vmem>>, vector<16xi32>,
    tpu.vector_store %arg6[%swap3A_55], %add3A_54 {strides = array<i32>} : memref<128xi32, #tpu.memory_space<vmem>>, vector<16xi32>,
    %add3A_57 = vector.broadcast %add3A_45 : i32 to vector<16xi32>
    %add3A_58 = arith.addi %shift_right_arithmetic3A_20, %add3A_57 : vector<16xi32>
    %swap3A_59 = arith.constant 48 : index
    %swap3A_60 = tpu.vector_load %arg6[%swap3A_59] {strides = array<i32>} : memref<128xi32, #tpu.memory_space<vmem>>, vector<16xi32>,
    tpu.vector_store %arg6[%swap3A_59], %add3A_58 {strides = array<i32>} : memref<128xi32, #tpu.memory_space<vmem>>, vector<16xi32>,
    %add3A_61 = arith.constant 1024 : i32
    %add3A_62 = arith.addi %mul3A_43, %add3A_61 : i32
    %add3A_63 = vector.broadcast %add3A_62 : i32 to vector<16xi32>
    %add3A_64 = arith.addi %shift_right_arithmetic3A_5, %add3A_63 : vector<16xi32>
    %swap3A_65 = arith.constant 64 : index
    %swap3A_66 = tpu.vector_load %arg6[%swap3A_65] {strides = array<i32>} : memref<128xi32, #tpu.memory_space<vmem>>, vector<16xi32>,
    tpu.vector_store %arg6[%swap3A_65], %add3A_64 {strides = array<i32>} : memref<128xi32, #tpu.memory_space<vmem>>, vector<16xi32>,
    %add3A_67 = vector.broadcast %add3A_62 : i32 to vector<16xi32>
    %add3A_68 = arith.addi %shift_right_arithmetic3A_10, %add3A_67 : vector<16xi32>
    %swap3A_69 = arith.constant 80 : index
    %swap3A_70 = tpu.vector_load %arg6[%swap3A_69] {strides = array<i32>} : memref<128xi32, #tpu.memory_space<vmem>>, vector<16xi32>,
    tpu.vector_store %arg6[%swap3A_69], %add3A_68 {strides = array<i32>} : memref<128xi32, #tpu.memory_space<vmem>>, vector<16xi32>,
    %add3A_71 = vector.broadcast %add3A_62 : i32 to vector<16xi32>
    %add3A_72 = arith.addi %shift_right_arithmetic3A_15, %add3A_71 : vector<16xi32>
    %swap3A_73 = arith.constant 96 : index
    %swap3A_74 = tpu.vector_load %arg6[%swap3A_73] {strides = array<i32>} : memref<128xi32, #tpu.memory_space<vmem>>, vector<16xi32>,
    tpu.vector_store %arg6[%swap3A_73], %add3A_72 {strides = array<i32>} : memref<128xi32, #tpu.memory_space<vmem>>, vector<16xi32>,
    %add3A_75 = vector.broadcast %add3A_62 : i32 to vector<16xi32>
    %add3A_76 = arith.addi %shift_right_arithmetic3A_20, %add3A_75 : vector<16xi32>
    %swap3A_77 = arith.constant 112 : index
    %swap3A_78 = tpu.vector_load %arg6[%swap3A_77] {strides = array<i32>} : memref<128xi32, #tpu.memory_space<vmem>>, vector<16xi32>,
    tpu.vector_store %arg6[%swap3A_77], %add3A_76 {strides = array<i32>} : memref<128xi32, #tpu.memory_space<vmem>>, vector<16xi32>,
    %dma_start3A = arith.constant 0 : i32
    %dma_start3A_79 = arith.constant 0 : i32
    %dma_start3A_80 = tpu.memref_slice %arg2[%dma_start3A, %dma_start3A_79] : memref<4194304x16xf32, #tpu.memory_space<hbm>> -> memref<4194304x16xf32, #tpu.memory_space<hbm>>
    tpu.enqueue_indirect_dma source(%dma_start3A_80 : memref<4194304x16xf32, #tpu.memory_space<hbm>>) target(%arg10 : memref<128x16xf32, #tpu.memory_space<vmem>>) offsets(%arg6 : memref<128xi32, #tpu.memory_space<vmem>>) semaphore(%arg15 : memref<!tpu.dma_semaphore, #tpu.memory_space<semaphore_mem>>)
    %add3A_81 = arith.constant 2 : i32
    %add3A_82 = arith.addi %mul3A_2, %add3A_81 : i32
    %mul3A_83 = arith.constant 1024 : i32
    %mul3A_84 = arith.muli %add3A_82, %mul3A_83 : i32
    %add3A_85 = arith.constant 0 : i32
    %add3A_86 = arith.addi %mul3A_84, %add3A_85 : i32
    %add3A_87 = vector.broadcast %add3A_86 : i32 to vector<16xi32>
    %add3A_88 = arith.addi %shift_right_arithmetic3A_5, %add3A_87 : vector<16xi32>
    %swap3A_89 = arith.constant 0 : index
    %swap3A_90 = tpu.vector_load %arg7[%swap3A_89] {strides = array<i32>} : memref<128xi32, #tpu.memory_space<vmem>>, vector<16xi32>,
    tpu.vector_store %arg7[%swap3A_89], %add3A_88 {strides = array<i32>} : memref<128xi32, #tpu.memory_space<vmem>>, vector<16xi32>,
    %add3A_91 = vector.broadcast %add3A_86 : i32 to vector<16xi32>
    %add3A_92 = arith.addi %shift_right_arithmetic3A_10, %add3A_91 : vector<16xi32>
    %swap3A_93 = arith.constant 16 : index
    %swap3A_94 = tpu.vector_load %arg7[%swap3A_93] {strides = array<i32>} : memref<128xi32, #tpu.memory_space<vmem>>, vector<16xi32>,
    tpu.vector_store %arg7[%swap3A_93], %add3A_92 {strides = array<i32>} : memref<128xi32, #tpu.memory_space<vmem>>, vector<16xi32>,
    %add3A_95 = vector.broadcast %add3A_86 : i32 to vector<16xi32>
    %add3A_96 = arith.addi %shift_right_arithmetic3A_15, %add3A_95 : vector<16xi32>
    %swap3A_97 = arith.constant 32 : index
    %swap3A_98 = tpu.vector_load %arg7[%swap3A_97] {strides = array<i32>} : memref<128xi32, #tpu.memory_space<vmem>>, vector<16xi32>,
    tpu.vector_store %arg7[%swap3A_97], %add3A_96 {strides = array<i32>} : memref<128xi32, #tpu.memory_space<vmem>>, vector<16xi32>,
    %add3A_99 = vector.broadcast %add3A_86 : i32 to vector<16xi32>
    %add3A_100 = arith.addi %shift_right_arithmetic3A_20, %add3A_99 : vector<16xi32>
    %swap3A_101 = arith.constant 48 : index
    %swap3A_102 = tpu.vector_load %arg7[%swap3A_101] {strides = array<i32>} : memref<128xi32, #tpu.memory_space<vmem>>, vector<16xi32>,
    tpu.vector_store %arg7[%swap3A_101], %add3A_100 {strides = array<i32>} : memref<128xi32, #tpu.memory_space<vmem>>, vector<16xi32>,
    %add3A_103 = arith.constant 1024 : i32
    %add3A_104 = arith.addi %mul3A_84, %add3A_103 : i32
    %add3A_105 = vector.broadcast %add3A_104 : i32 to vector<16xi32>
    %add3A_106 = arith.addi %shift_right_arithmetic3A_5, %add3A_105 : vector<16xi32>
    %swap3A_107 = arith.constant 64 : index
    %swap3A_108 = tpu.vector_load %arg7[%swap3A_107] {strides = array<i32>} : memref<128xi32, #tpu.memory_space<vmem>>, vector<16xi32>,
    tpu.vector_store %arg7[%swap3A_107], %add3A_106 {strides = array<i32>} : memref<128xi32, #tpu.memory_space<vmem>>, vector<16xi32>,
    %add3A_109 = vector.broadcast %add3A_104 : i32 to vector<16xi32>
    %add3A_110 = arith.addi %shift_right_arithmetic3A_10, %add3A_109 : vector<16xi32>
    %swap3A_111 = arith.constant 80 : index
    %swap3A_112 = tpu.vector_load %arg7[%swap3A_111] {strides = array<i32>} : memref<128xi32, #tpu.memory_space<vmem>>, vector<16xi32>,
    tpu.vector_store %arg7[%swap3A_111], %add3A_110 {strides = array<i32>} : memref<128xi32, #tpu.memory_space<vmem>>, vector<16xi32>,
    %add3A_113 = vector.broadcast %add3A_104 : i32 to vector<16xi32>
    %add3A_114 = arith.addi %shift_right_arithmetic3A_15, %add3A_113 : vector<16xi32>
    %swap3A_115 = arith.constant 96 : index
    %swap3A_116 = tpu.vector_load %arg7[%swap3A_115] {strides = array<i32>} : memref<128xi32, #tpu.memory_space<vmem>>, vector<16xi32>,
    tpu.vector_store %arg7[%swap3A_115], %add3A_114 {strides = array<i32>} : memref<128xi32, #tpu.memory_space<vmem>>, vector<16xi32>,
    %add3A_117 = vector.broadcast %add3A_104 : i32 to vector<16xi32>
    %add3A_118 = arith.addi %shift_right_arithmetic3A_20, %add3A_117 : vector<16xi32>
    %swap3A_119 = arith.constant 112 : index
    %swap3A_120 = tpu.vector_load %arg7[%swap3A_119] {strides = array<i32>} : memref<128xi32, #tpu.memory_space<vmem>>, vector<16xi32>,
    tpu.vector_store %arg7[%swap3A_119], %add3A_118 {strides = array<i32>} : memref<128xi32, #tpu.memory_space<vmem>>, vector<16xi32>,
    %dma_start3A_121 = arith.constant 0 : i32
    %dma_start3A_122 = arith.constant 0 : i32
    %dma_start3A_123 = tpu.memref_slice %arg2[%dma_start3A_121, %dma_start3A_122] : memref<4194304x16xf32, #tpu.memory_space<hbm>> -> memref<4194304x16xf32, #tpu.memory_space<hbm>>
    tpu.enqueue_indirect_dma source(%dma_start3A_123 : memref<4194304x16xf32, #tpu.memory_space<hbm>>) target(%arg11 : memref<128x16xf32, #tpu.memory_space<vmem>>) offsets(%arg7 : memref<128xi32, #tpu.memory_space<vmem>>) semaphore(%arg16 : memref<!tpu.dma_semaphore, #tpu.memory_space<semaphore_mem>>)
    %add3A_124 = arith.constant 4 : i32
    %add3A_125 = arith.addi %mul3A_2, %add3A_124 : i32
    %mul3A_126 = arith.constant 1024 : i32
    %mul3A_127 = arith.muli %add3A_125, %mul3A_126 : i32
    %add3A_128 = arith.constant 0 : i32
    %add3A_129 = arith.addi %mul3A_127, %add3A_128 : i32
    %add3A_130 = vector.broadcast %add3A_129 : i32 to vector<16xi32>
    %add3A_131 = arith.addi %shift_right_arithmetic3A_5, %add3A_130 : vector<16xi32>
    %swap3A_132 = arith.constant 0 : index
    %swap3A_133 = tpu.vector_load %arg8[%swap3A_132] {strides = array<i32>} : memref<128xi32, #tpu.memory_space<vmem>>, vector<16xi32>,
    tpu.vector_store %arg8[%swap3A_132], %add3A_131 {strides = array<i32>} : memref<128xi32, #tpu.memory_space<vmem>>, vector<16xi32>,
    %add3A_134 = vector.broadcast %add3A_129 : i32 to vector<16xi32>
    %add3A_135 = arith.addi %shift_right_arithmetic3A_10, %add3A_134 : vector<16xi32>
    %swap3A_136 = arith.constant 16 : index
    %swap3A_137 = tpu.vector_load %arg8[%swap3A_136] {strides = array<i32>} : memref<128xi32, #tpu.memory_space<vmem>>, vector<16xi32>,
    tpu.vector_store %arg8[%swap3A_136], %add3A_135 {strides = array<i32>} : memref<128xi32, #tpu.memory_space<vmem>>, vector<16xi32>,
    %add3A_138 = vector.broadcast %add3A_129 : i32 to vector<16xi32>
    %add3A_139 = arith.addi %shift_right_arithmetic3A_15, %add3A_138 : vector<16xi32>
    %swap3A_140 = arith.constant 32 : index
    %swap3A_141 = tpu.vector_load %arg8[%swap3A_140] {strides = array<i32>} : memref<128xi32, #tpu.memory_space<vmem>>, vector<16xi32>,
    tpu.vector_store %arg8[%swap3A_140], %add3A_139 {strides = array<i32>} : memref<128xi32, #tpu.memory_space<vmem>>, vector<16xi32>,
    %add3A_142 = vector.broadcast %add3A_129 : i32 to vector<16xi32>
    %add3A_143 = arith.addi %shift_right_arithmetic3A_20, %add3A_142 : vector<16xi32>
    %swap3A_144 = arith.constant 48 : index
    %swap3A_145 = tpu.vector_load %arg8[%swap3A_144] {strides = array<i32>} : memref<128xi32, #tpu.memory_space<vmem>>, vector<16xi32>,
    tpu.vector_store %arg8[%swap3A_144], %add3A_143 {strides = array<i32>} : memref<128xi32, #tpu.memory_space<vmem>>, vector<16xi32>,
    %add3A_146 = arith.constant 1024 : i32
    %add3A_147 = arith.addi %mul3A_127, %add3A_146 : i32
    %add3A_148 = vector.broadcast %add3A_147 : i32 to vector<16xi32>
    %add3A_149 = arith.addi %shift_right_arithmetic3A_5, %add3A_148 : vector<16xi32>
    %swap3A_150 = arith.constant 64 : index
    %swap3A_151 = tpu.vector_load %arg8[%swap3A_150] {strides = array<i32>} : memref<128xi32, #tpu.memory_space<vmem>>, vector<16xi32>,
    tpu.vector_store %arg8[%swap3A_150], %add3A_149 {strides = array<i32>} : memref<128xi32, #tpu.memory_space<vmem>>, vector<16xi32>,
    %add3A_152 = vector.broadcast %add3A_147 : i32 to vector<16xi32>
    %add3A_153 = arith.addi %shift_right_arithmetic3A_10, %add3A_152 : vector<16xi32>
    %swap3A_154 = arith.constant 80 : index
    %swap3A_155 = tpu.vector_load %arg8[%swap3A_154] {strides = array<i32>} : memref<128xi32, #tpu.memory_space<vmem>>, vector<16xi32>,
    tpu.vector_store %arg8[%swap3A_154], %add3A_153 {strides = array<i32>} : memref<128xi32, #tpu.memory_space<vmem>>, vector<16xi32>,
    %add3A_156 = vector.broadcast %add3A_147 : i32 to vector<16xi32>
    %add3A_157 = arith.addi %shift_right_arithmetic3A_15, %add3A_156 : vector<16xi32>
    %swap3A_158 = arith.constant 96 : index
    %swap3A_159 = tpu.vector_load %arg8[%swap3A_158] {strides = array<i32>} : memref<128xi32, #tpu.memory_space<vmem>>, vector<16xi32>,
    tpu.vector_store %arg8[%swap3A_158], %add3A_157 {strides = array<i32>} : memref<128xi32, #tpu.memory_space<vmem>>, vector<16xi32>,
    %add3A_160 = vector.broadcast %add3A_147 : i32 to vector<16xi32>
    %add3A_161 = arith.addi %shift_right_arithmetic3A_20, %add3A_160 : vector<16xi32>
    %swap3A_162 = arith.constant 112 : index
    %swap3A_163 = tpu.vector_load %arg8[%swap3A_162] {strides = array<i32>} : memref<128xi32, #tpu.memory_space<vmem>>, vector<16xi32>,
    tpu.vector_store %arg8[%swap3A_162], %add3A_161 {strides = array<i32>} : memref<128xi32, #tpu.memory_space<vmem>>, vector<16xi32>,
    %dma_start3A_164 = arith.constant 0 : i32
    %dma_start3A_165 = arith.constant 0 : i32
    %dma_start3A_166 = tpu.memref_slice %arg2[%dma_start3A_164, %dma_start3A_165] : memref<4194304x16xf32, #tpu.memory_space<hbm>> -> memref<4194304x16xf32, #tpu.memory_space<hbm>>
    tpu.enqueue_indirect_dma source(%dma_start3A_166 : memref<4194304x16xf32, #tpu.memory_space<hbm>>) target(%arg12 : memref<128x16xf32, #tpu.memory_space<vmem>>) offsets(%arg8 : memref<128xi32, #tpu.memory_space<vmem>>) semaphore(%arg17 : memref<!tpu.dma_semaphore, #tpu.memory_space<semaphore_mem>>)
    %add3A_167 = arith.constant 6 : i32
    %add3A_168 = arith.addi %mul3A_2, %add3A_167 : i32
    %mul3A_169 = arith.constant 1024 : i32
    %mul3A_170 = arith.muli %add3A_168, %mul3A_169 : i32
    %add3A_171 = arith.constant 0 : i32
    %add3A_172 = arith.addi %mul3A_170, %add3A_171 : i32
    %add3A_173 = vector.broadcast %add3A_172 : i32 to vector<16xi32>
    %add3A_174 = arith.addi %shift_right_arithmetic3A_5, %add3A_173 : vector<16xi32>
    %swap3A_175 = arith.constant 0 : index
    %swap3A_176 = tpu.vector_load %arg9[%swap3A_175] {strides = array<i32>} : memref<128xi32, #tpu.memory_space<vmem>>, vector<16xi32>,
    tpu.vector_store %arg9[%swap3A_175], %add3A_174 {strides = array<i32>} : memref<128xi32, #tpu.memory_space<vmem>>, vector<16xi32>,
    %add3A_177 = vector.broadcast %add3A_172 : i32 to vector<16xi32>
    %add3A_178 = arith.addi %shift_right_arithmetic3A_10, %add3A_177 : vector<16xi32>
    %swap3A_179 = arith.constant 16 : index
    %swap3A_180 = tpu.vector_load %arg9[%swap3A_179] {strides = array<i32>} : memref<128xi32, #tpu.memory_space<vmem>>, vector<16xi32>,
    tpu.vector_store %arg9[%swap3A_179], %add3A_178 {strides = array<i32>} : memref<128xi32, #tpu.memory_space<vmem>>, vector<16xi32>,
    %add3A_181 = vector.broadcast %add3A_172 : i32 to vector<16xi32>
    %add3A_182 = arith.addi %shift_right_arithmetic3A_15, %add3A_181 : vector<16xi32>
    %swap3A_183 = arith.constant 32 : index
    %swap3A_184 = tpu.vector_load %arg9[%swap3A_183] {strides = array<i32>} : memref<128xi32, #tpu.memory_space<vmem>>, vector<16xi32>,
    tpu.vector_store %arg9[%swap3A_183], %add3A_182 {strides = array<i32>} : memref<128xi32, #tpu.memory_space<vmem>>, vector<16xi32>,
    %add3A_185 = vector.broadcast %add3A_172 : i32 to vector<16xi32>
    %add3A_186 = arith.addi %shift_right_arithmetic3A_20, %add3A_185 : vector<16xi32>
    %swap3A_187 = arith.constant 48 : index
    %swap3A_188 = tpu.vector_load %arg9[%swap3A_187] {strides = array<i32>} : memref<128xi32, #tpu.memory_space<vmem>>, vector<16xi32>,
    tpu.vector_store %arg9[%swap3A_187], %add3A_186 {strides = array<i32>} : memref<128xi32, #tpu.memory_space<vmem>>, vector<16xi32>,
    %add3A_189 = arith.constant 1024 : i32
    %add3A_190 = arith.addi %mul3A_170, %add3A_189 : i32
    %add3A_191 = vector.broadcast %add3A_190 : i32 to vector<16xi32>
    %add3A_192 = arith.addi %shift_right_arithmetic3A_5, %add3A_191 : vector<16xi32>
    %swap3A_193 = arith.constant 64 : index
    %swap3A_194 = tpu.vector_load %arg9[%swap3A_193] {strides = array<i32>} : memref<128xi32, #tpu.memory_space<vmem>>, vector<16xi32>,
    tpu.vector_store %arg9[%swap3A_193], %add3A_192 {strides = array<i32>} : memref<128xi32, #tpu.memory_space<vmem>>, vector<16xi32>,
    %add3A_195 = vector.broadcast %add3A_190 : i32 to vector<16xi32>
    %add3A_196 = arith.addi %shift_right_arithmetic3A_10, %add3A_195 : vector<16xi32>
    %swap3A_197 = arith.constant 80 : index
    %swap3A_198 = tpu.vector_load %arg9[%swap3A_197] {strides = array<i32>} : memref<128xi32, #tpu.memory_space<vmem>>, vector<16xi32>,
    tpu.vector_store %arg9[%swap3A_197], %add3A_196 {strides = array<i32>} : memref<128xi32, #tpu.memory_space<vmem>>, vector<16xi32>,
    %add3A_199 = vector.broadcast %add3A_190 : i32 to vector<16xi32>
    %add3A_200 = arith.addi %shift_right_arithmetic3A_15, %add3A_199 : vector<16xi32>
    %swap3A_201 = arith.constant 96 : index
    %swap3A_202 = tpu.vector_load %arg9[%swap3A_201] {strides = array<i32>} : memref<128xi32, #tpu.memory_space<vmem>>, vector<16xi32>,
    tpu.vector_store %arg9[%swap3A_201], %add3A_200 {strides = array<i32>} : memref<128xi32, #tpu.memory_space<vmem>>, vector<16xi32>,
    %add3A_203 = vector.broadcast %add3A_190 : i32 to vector<16xi32>
    %add3A_204 = arith.addi %shift_right_arithmetic3A_20, %add3A_203 : vector<16xi32>
    %swap3A_205 = arith.constant 112 : index
    %swap3A_206 = tpu.vector_load %arg9[%swap3A_205] {strides = array<i32>} : memref<128xi32, #tpu.memory_space<vmem>>, vector<16xi32>,
    tpu.vector_store %arg9[%swap3A_205], %add3A_204 {strides = array<i32>} : memref<128xi32, #tpu.memory_space<vmem>>, vector<16xi32>,
    %dma_start3A_207 = arith.constant 0 : i32
    %dma_start3A_208 = arith.constant 0 : i32
    %dma_start3A_209 = tpu.memref_slice %arg2[%dma_start3A_207, %dma_start3A_208] : memref<4194304x16xf32, #tpu.memory_space<hbm>> -> memref<4194304x16xf32, #tpu.memory_space<hbm>>
    tpu.enqueue_indirect_dma source(%dma_start3A_209 : memref<4194304x16xf32, #tpu.memory_space<hbm>>) target(%arg13 : memref<128x16xf32, #tpu.memory_space<vmem>>) offsets(%arg9 : memref<128xi32, #tpu.memory_space<vmem>>) semaphore(%arg18 : memref<!tpu.dma_semaphore, #tpu.memory_space<semaphore_mem>>)
    %scan3A = arith.constant 0 : i32
    %scan3A_210 = arith.constant 0 : i32
    %scan3A_211 = arith.constant 15 : i32
    %scan3A_212 = arith.addi %scan3A_210, %scan3A_211 : i32
    %scan3A_213 = arith.constant 1 : i32
    scf.for %scan3A_525 = %scan3A_210 to %scan3A_212 step %scan3A_213  : i32 {
      %mul3A_526 = arith.constant 4 : i32
      %mul3A_527 = arith.muli %scan3A_525, %mul3A_526 : i32
      %add3A_528 = arith.constant 0 : i32
      %add3A_529 = arith.addi %mul3A_527, %add3A_528 : i32
      %dma_wait3A_530 = arith.constant 0 : i32
      %dma_wait3A_531 = arith.constant 0 : i32
      %dma_wait3A_532 = tpu.memref_slice %arg2[%dma_wait3A_530, %dma_wait3A_531] : memref<4194304x16xf32, #tpu.memory_space<hbm>> -> memref<128x16xf32, #tpu.memory_space<hbm>>
      %dma_wait3A_533 = arith.constant 0 : i32
      %dma_wait3A_534 = arith.constant 0 : i32
      %dma_wait3A_535 = tpu.memref_slice %arg2[%dma_wait3A_533, %dma_wait3A_534] : memref<4194304x16xf32, #tpu.memory_space<hbm>> -> memref<128x16xf32, #tpu.memory_space<hbm>>
      tpu.wait_dma2 semaphore(%arg15 : memref<!tpu.dma_semaphore, #tpu.memory_space<semaphore_mem>>) src(%dma_wait3A_535 : memref<128x16xf32, #tpu.memory_space<hbm>>) dst(%arg10 : memref<128x16xf32, #tpu.memory_space<vmem>>)
      %mul3A_536 = arith.constant 2 : i32
      %mul3A_537 = arith.muli %mul3A_536, %add3A_529 : i32
      %add3A_538 = arith.constant 0 : i32
      %add3A_539 = vector.broadcast %add3A_538 : i32 to vector<16xi32>
      %add3A_540 = arith.addi %iota3A, %add3A_539 : vector<16xi32>
      %gather3A_541 = tpu.vector_load_idx %arg10[%add3A_540, %and3A_24] : memref<128x16xf32, #tpu.memory_space<vmem>>[vector<16xi32>, vector<16xi32>], vector<16xf32>,
      %mul3A_542 = arith.mulf %gather3A_541, %gather3A_541 : vector<16xf32>
      %add3A_543 = arith.constant 0 : i32
      %add3A_544 = arith.addi %mul3A_537, %add3A_543 : i32
      %swap3A_545 = arith.index_cast %add3A_544 : i32 to index
      %swap3A_546 = arith.constant 0 : index
      %swap3A_547 = tpu.vector_load %arg14[%swap3A_545, %swap3A_546] {strides = array<i32>} : memref<128x64xf32, #tpu.memory_space<vmem>>, vector<16xf32>,
      tpu.vector_store %arg14[%swap3A_545, %swap3A_546], %mul3A_542 {strides = array<i32>} : memref<128x64xf32, #tpu.memory_space<vmem>>, vector<16xf32>,
      %add3A_548 = arith.constant 16 : i32
      %add3A_549 = vector.broadcast %add3A_548 : i32 to vector<16xi32>
      %add3A_550 = arith.addi %iota3A, %add3A_549 : vector<16xi32>
      %gather3A_551 = tpu.vector_load_idx %arg10[%add3A_550, %and3A_29] : memref<128x16xf32, #tpu.memory_space<vmem>>[vector<16xi32>, vector<16xi32>], vector<16xf32>,
      %mul3A_552 = arith.mulf %gather3A_551, %gather3A_551 : vector<16xf32>
      %add3A_553 = arith.constant 0 : i32
      %add3A_554 = arith.addi %mul3A_537, %add3A_553 : i32
      %swap3A_555 = arith.index_cast %add3A_554 : i32 to index
      %swap3A_556 = arith.constant 16 : index
      %swap3A_557 = tpu.vector_load %arg14[%swap3A_555, %swap3A_556] {strides = array<i32>} : memref<128x64xf32, #tpu.memory_space<vmem>>, vector<16xf32>,
      tpu.vector_store %arg14[%swap3A_555, %swap3A_556], %mul3A_552 {strides = array<i32>} : memref<128x64xf32, #tpu.memory_space<vmem>>, vector<16xf32>,
      %add3A_558 = arith.constant 32 : i32
      %add3A_559 = vector.broadcast %add3A_558 : i32 to vector<16xi32>
      %add3A_560 = arith.addi %iota3A, %add3A_559 : vector<16xi32>
      %gather3A_561 = tpu.vector_load_idx %arg10[%add3A_560, %and3A_34] : memref<128x16xf32, #tpu.memory_space<vmem>>[vector<16xi32>, vector<16xi32>], vector<16xf32>,
      %mul3A_562 = arith.mulf %gather3A_561, %gather3A_561 : vector<16xf32>
      %add3A_563 = arith.constant 0 : i32
      %add3A_564 = arith.addi %mul3A_537, %add3A_563 : i32
      %swap3A_565 = arith.index_cast %add3A_564 : i32 to index
      %swap3A_566 = arith.constant 32 : index
      %swap3A_567 = tpu.vector_load %arg14[%swap3A_565, %swap3A_566] {strides = array<i32>} : memref<128x64xf32, #tpu.memory_space<vmem>>, vector<16xf32>,
      tpu.vector_store %arg14[%swap3A_565, %swap3A_566], %mul3A_562 {strides = array<i32>} : memref<128x64xf32, #tpu.memory_space<vmem>>, vector<16xf32>,
      %add3A_568 = arith.constant 48 : i32
      %add3A_569 = vector.broadcast %add3A_568 : i32 to vector<16xi32>
      %add3A_570 = arith.addi %iota3A, %add3A_569 : vector<16xi32>
      %gather3A_571 = tpu.vector_load_idx %arg10[%add3A_570, %and3A_39] : memref<128x16xf32, #tpu.memory_space<vmem>>[vector<16xi32>, vector<16xi32>], vector<16xf32>,
      %mul3A_572 = arith.mulf %gather3A_571, %gather3A_571 : vector<16xf32>
      %add3A_573 = arith.constant 0 : i32
      %add3A_574 = arith.addi %mul3A_537, %add3A_573 : i32
      %swap3A_575 = arith.index_cast %add3A_574 : i32 to index
      %swap3A_576 = arith.constant 48 : index
      %swap3A_577 = tpu.vector_load %arg14[%swap3A_575, %swap3A_576] {strides = array<i32>} : memref<128x64xf32, #tpu.memory_space<vmem>>, vector<16xf32>,
      tpu.vector_store %arg14[%swap3A_575, %swap3A_576], %mul3A_572 {strides = array<i32>} : memref<128x64xf32, #tpu.memory_space<vmem>>, vector<16xf32>,
      %add3A_578 = arith.constant 64 : i32
      %add3A_579 = vector.broadcast %add3A_578 : i32 to vector<16xi32>
      %add3A_580 = arith.addi %iota3A, %add3A_579 : vector<16xi32>
      %gather3A_581 = tpu.vector_load_idx %arg10[%add3A_580, %and3A_24] : memref<128x16xf32, #tpu.memory_space<vmem>>[vector<16xi32>, vector<16xi32>], vector<16xf32>,
      %mul3A_582 = arith.mulf %gather3A_581, %gather3A_581 : vector<16xf32>
      %add3A_583 = arith.constant 1 : i32
      %add3A_584 = arith.addi %mul3A_537, %add3A_583 : i32
      %swap3A_585 = arith.index_cast %add3A_584 : i32 to index
      %swap3A_586 = arith.constant 0 : index
      %swap3A_587 = tpu.vector_load %arg14[%swap3A_585, %swap3A_586] {strides = array<i32>} : memref<128x64xf32, #tpu.memory_space<vmem>>, vector<16xf32>,
      tpu.vector_store %arg14[%swap3A_585, %swap3A_586], %mul3A_582 {strides = array<i32>} : memref<128x64xf32, #tpu.memory_space<vmem>>, vector<16xf32>,
      %add3A_588 = arith.constant 80 : i32
      %add3A_589 = vector.broadcast %add3A_588 : i32 to vector<16xi32>
      %add3A_590 = arith.addi %iota3A, %add3A_589 : vector<16xi32>
      %gather3A_591 = tpu.vector_load_idx %arg10[%add3A_590, %and3A_29] : memref<128x16xf32, #tpu.memory_space<vmem>>[vector<16xi32>, vector<16xi32>], vector<16xf32>,
      %mul3A_592 = arith.mulf %gather3A_591, %gather3A_591 : vector<16xf32>
      %add3A_593 = arith.constant 1 : i32
      %add3A_594 = arith.addi %mul3A_537, %add3A_593 : i32
      %swap3A_595 = arith.index_cast %add3A_594 : i32 to index
      %swap3A_596 = arith.constant 16 : index
      %swap3A_597 = tpu.vector_load %arg14[%swap3A_595, %swap3A_596] {strides = array<i32>} : memref<128x64xf32, #tpu.memory_space<vmem>>, vector<16xf32>,
      tpu.vector_store %arg14[%swap3A_595, %swap3A_596], %mul3A_592 {strides = array<i32>} : memref<128x64xf32, #tpu.memory_space<vmem>>, vector<16xf32>,
      %add3A_598 = arith.constant 96 : i32
      %add3A_599 = vector.broadcast %add3A_598 : i32 to vector<16xi32>
      %add3A_600 = arith.addi %iota3A, %add3A_599 : vector<16xi32>
      %gather3A_601 = tpu.vector_load_idx %arg10[%add3A_600, %and3A_34] : memref<128x16xf32, #tpu.memory_space<vmem>>[vector<16xi32>, vector<16xi32>], vector<16xf32>,
      %mul3A_602 = arith.mulf %gather3A_601, %gather3A_601 : vector<16xf32>
      %add3A_603 = arith.constant 1 : i32
      %add3A_604 = arith.addi %mul3A_537, %add3A_603 : i32
      %swap3A_605 = arith.index_cast %add3A_604 : i32 to index
      %swap3A_606 = arith.constant 32 : index
      %swap3A_607 = tpu.vector_load %arg14[%swap3A_605, %swap3A_606] {strides = array<i32>} : memref<128x64xf32, #tpu.memory_space<vmem>>, vector<16xf32>,
      tpu.vector_store %arg14[%swap3A_605, %swap3A_606], %mul3A_602 {strides = array<i32>} : memref<128x64xf32, #tpu.memory_space<vmem>>, vector<16xf32>,
      %add3A_608 = arith.constant 112 : i32
      %add3A_609 = vector.broadcast %add3A_608 : i32 to vector<16xi32>
      %add3A_610 = arith.addi %iota3A, %add3A_609 : vector<16xi32>
      %gather3A_611 = tpu.vector_load_idx %arg10[%add3A_610, %and3A_39] : memref<128x16xf32, #tpu.memory_space<vmem>>[vector<16xi32>, vector<16xi32>], vector<16xf32>,
      %mul3A_612 = arith.mulf %gather3A_611, %gather3A_611 : vector<16xf32>
      %add3A_613 = arith.constant 1 : i32
      %add3A_614 = arith.addi %mul3A_537, %add3A_613 : i32
      %swap3A_615 = arith.index_cast %add3A_614 : i32 to index
      %swap3A_616 = arith.constant 48 : index
      %swap3A_617 = tpu.vector_load %arg14[%swap3A_615, %swap3A_616] {strides = array<i32>} : memref<128x64xf32, #tpu.memory_space<vmem>>, vector<16xf32>,
      tpu.vector_store %arg14[%swap3A_615, %swap3A_616], %mul3A_612 {strides = array<i32>} : memref<128x64xf32, #tpu.memory_space<vmem>>, vector<16xf32>,
      %add3A_618 = arith.constant 4 : i32
      %add3A_619 = arith.addi %add3A_529, %add3A_618 : i32
      %mul3A_620 = arith.constant 2 : i32
      %mul3A_621 = arith.muli %mul3A_620, %add3A_619 : i32
      %add3A_622 = arith.addi %mul3A_2, %mul3A_621 : i32
      %mul3A_623 = arith.constant 1024 : i32
      %mul3A_624 = arith.muli %add3A_622, %mul3A_623 : i32
      %add3A_625 = arith.constant 0 : i32
      %add3A_626 = arith.addi %mul3A_624, %add3A_625 : i32
      %add3A_627 = vector.broadcast %add3A_626 : i32 to vector<16xi32>
      %add3A_628 = arith.addi %shift_right_arithmetic3A_5, %add3A_627 : vector<16xi32>
      %swap3A_629 = arith.constant 0 : index
      %swap3A_630 = tpu.vector_load %arg6[%swap3A_629] {strides = array<i32>} : memref<128xi32, #tpu.memory_space<vmem>>, vector<16xi32>,
      tpu.vector_store %arg6[%swap3A_629], %add3A_628 {strides = array<i32>} : memref<128xi32, #tpu.memory_space<vmem>>, vector<16xi32>,
      %add3A_631 = vector.broadcast %add3A_626 : i32 to vector<16xi32>
      %add3A_632 = arith.addi %shift_right_arithmetic3A_10, %add3A_631 : vector<16xi32>
      %swap3A_633 = arith.constant 16 : index
      %swap3A_634 = tpu.vector_load %arg6[%swap3A_633] {strides = array<i32>} : memref<128xi32, #tpu.memory_space<vmem>>, vector<16xi32>,
      tpu.vector_store %arg6[%swap3A_633], %add3A_632 {strides = array<i32>} : memref<128xi32, #tpu.memory_space<vmem>>, vector<16xi32>,
      %add3A_635 = vector.broadcast %add3A_626 : i32 to vector<16xi32>
      %add3A_636 = arith.addi %shift_right_arithmetic3A_15, %add3A_635 : vector<16xi32>
      %swap3A_637 = arith.constant 32 : index
      %swap3A_638 = tpu.vector_load %arg6[%swap3A_637] {strides = array<i32>} : memref<128xi32, #tpu.memory_space<vmem>>, vector<16xi32>,
      tpu.vector_store %arg6[%swap3A_637], %add3A_636 {strides = array<i32>} : memref<128xi32, #tpu.memory_space<vmem>>, vector<16xi32>,
      %add3A_639 = vector.broadcast %add3A_626 : i32 to vector<16xi32>
      %add3A_640 = arith.addi %shift_right_arithmetic3A_20, %add3A_639 : vector<16xi32>
      %swap3A_641 = arith.constant 48 : index
      %swap3A_642 = tpu.vector_load %arg6[%swap3A_641] {strides = array<i32>} : memref<128xi32, #tpu.memory_space<vmem>>, vector<16xi32>,
      tpu.vector_store %arg6[%swap3A_641], %add3A_640 {strides = array<i32>} : memref<128xi32, #tpu.memory_space<vmem>>, vector<16xi32>,
      %add3A_643 = arith.constant 1024 : i32
      %add3A_644 = arith.addi %mul3A_624, %add3A_643 : i32
      %add3A_645 = vector.broadcast %add3A_644 : i32 to vector<16xi32>
      %add3A_646 = arith.addi %shift_right_arithmetic3A_5, %add3A_645 : vector<16xi32>
      %swap3A_647 = arith.constant 64 : index
      %swap3A_648 = tpu.vector_load %arg6[%swap3A_647] {strides = array<i32>} : memref<128xi32, #tpu.memory_space<vmem>>, vector<16xi32>,
      tpu.vector_store %arg6[%swap3A_647], %add3A_646 {strides = array<i32>} : memref<128xi32, #tpu.memory_space<vmem>>, vector<16xi32>,
      %add3A_649 = vector.broadcast %add3A_644 : i32 to vector<16xi32>
      %add3A_650 = arith.addi %shift_right_arithmetic3A_10, %add3A_649 : vector<16xi32>
      %swap3A_651 = arith.constant 80 : index
      %swap3A_652 = tpu.vector_load %arg6[%swap3A_651] {strides = array<i32>} : memref<128xi32, #tpu.memory_space<vmem>>, vector<16xi32>,
      tpu.vector_store %arg6[%swap3A_651], %add3A_650 {strides = array<i32>} : memref<128xi32, #tpu.memory_space<vmem>>, vector<16xi32>,
      %add3A_653 = vector.broadcast %add3A_644 : i32 to vector<16xi32>
      %add3A_654 = arith.addi %shift_right_arithmetic3A_15, %add3A_653 : vector<16xi32>
      %swap3A_655 = arith.constant 96 : index
      %swap3A_656 = tpu.vector_load %arg6[%swap3A_655] {strides = array<i32>} : memref<128xi32, #tpu.memory_space<vmem>>, vector<16xi32>,
      tpu.vector_store %arg6[%swap3A_655], %add3A_654 {strides = array<i32>} : memref<128xi32, #tpu.memory_space<vmem>>, vector<16xi32>,
      %add3A_657 = vector.broadcast %add3A_644 : i32 to vector<16xi32>
      %add3A_658 = arith.addi %shift_right_arithmetic3A_20, %add3A_657 : vector<16xi32>
      %swap3A_659 = arith.constant 112 : index
      %swap3A_660 = tpu.vector_load %arg6[%swap3A_659] {strides = array<i32>} : memref<128xi32, #tpu.memory_space<vmem>>, vector<16xi32>,
      tpu.vector_store %arg6[%swap3A_659], %add3A_658 {strides = array<i32>} : memref<128xi32, #tpu.memory_space<vmem>>, vector<16xi32>,
      %dma_start3A_661 = arith.constant 0 : i32
      %dma_start3A_662 = arith.constant 0 : i32
      %dma_start3A_663 = tpu.memref_slice %arg2[%dma_start3A_661, %dma_start3A_662] : memref<4194304x16xf32, #tpu.memory_space<hbm>> -> memref<4194304x16xf32, #tpu.memory_space<hbm>>
      tpu.enqueue_indirect_dma source(%dma_start3A_663 : memref<4194304x16xf32, #tpu.memory_space<hbm>>) target(%arg10 : memref<128x16xf32, #tpu.memory_space<vmem>>) offsets(%arg6 : memref<128xi32, #tpu.memory_space<vmem>>) semaphore(%arg15 : memref<!tpu.dma_semaphore, #tpu.memory_space<semaphore_mem>>)
      %mul3A_664 = arith.constant 4 : i32
      %mul3A_665 = arith.muli %scan3A_525, %mul3A_664 : i32
      %add3A_666 = arith.constant 1 : i32
      %add3A_667 = arith.addi %mul3A_665, %add3A_666 : i32
      %dma_wait3A_668 = arith.constant 0 : i32
      %dma_wait3A_669 = arith.constant 0 : i32
      %dma_wait3A_670 = tpu.memref_slice %arg2[%dma_wait3A_668, %dma_wait3A_669] : memref<4194304x16xf32, #tpu.memory_space<hbm>> -> memref<128x16xf32, #tpu.memory_space<hbm>>
      %dma_wait3A_671 = arith.constant 0 : i32
      %dma_wait3A_672 = arith.constant 0 : i32
      %dma_wait3A_673 = tpu.memref_slice %arg2[%dma_wait3A_671, %dma_wait3A_672] : memref<4194304x16xf32, #tpu.memory_space<hbm>> -> memref<128x16xf32, #tpu.memory_space<hbm>>
      tpu.wait_dma2 semaphore(%arg16 : memref<!tpu.dma_semaphore, #tpu.memory_space<semaphore_mem>>) src(%dma_wait3A_673 : memref<128x16xf32, #tpu.memory_space<hbm>>) dst(%arg11 : memref<128x16xf32, #tpu.memory_space<vmem>>)
      %mul3A_674 = arith.constant 2 : i32
      %mul3A_675 = arith.muli %mul3A_674, %add3A_667 : i32
      %add3A_676 = arith.constant 0 : i32
      %add3A_677 = vector.broadcast %add3A_676 : i32 to vector<16xi32>
      %add3A_678 = arith.addi %iota3A, %add3A_677 : vector<16xi32>
      %gather3A_679 = tpu.vector_load_idx %arg11[%add3A_678, %and3A_24] : memref<128x16xf32, #tpu.memory_space<vmem>>[vector<16xi32>, vector<16xi32>], vector<16xf32>,
      %mul3A_680 = arith.mulf %gather3A_679, %gather3A_679 : vector<16xf32>
      %add3A_681 = arith.constant 0 : i32
      %add3A_682 = arith.addi %mul3A_675, %add3A_681 : i32
      %swap3A_683 = arith.index_cast %add3A_682 : i32 to index
      %swap3A_684 = arith.constant 0 : index
      %swap3A_685 = tpu.vector_load %arg14[%swap3A_683, %swap3A_684] {strides = array<i32>} : memref<128x64xf32, #tpu.memory_space<vmem>>, vector<16xf32>,
      tpu.vector_store %arg14[%swap3A_683, %swap3A_684], %mul3A_680 {strides = array<i32>} : memref<128x64xf32, #tpu.memory_space<vmem>>, vector<16xf32>,
      %add3A_686 = arith.constant 16 : i32
      %add3A_687 = vector.broadcast %add3A_686 : i32 to vector<16xi32>
      %add3A_688 = arith.addi %iota3A, %add3A_687 : vector<16xi32>
      %gather3A_689 = tpu.vector_load_idx %arg11[%add3A_688, %and3A_29] : memref<128x16xf32, #tpu.memory_space<vmem>>[vector<16xi32>, vector<16xi32>], vector<16xf32>,
      %mul3A_690 = arith.mulf %gather3A_689, %gather3A_689 : vector<16xf32>
      %add3A_691 = arith.constant 0 : i32
      %add3A_692 = arith.addi %mul3A_675, %add3A_691 : i32
      %swap3A_693 = arith.index_cast %add3A_692 : i32 to index
      %swap3A_694 = arith.constant 16 : index
      %swap3A_695 = tpu.vector_load %arg14[%swap3A_693, %swap3A_694] {strides = array<i32>} : memref<128x64xf32, #tpu.memory_space<vmem>>, vector<16xf32>,
      tpu.vector_store %arg14[%swap3A_693, %swap3A_694], %mul3A_690 {strides = array<i32>} : memref<128x64xf32, #tpu.memory_space<vmem>>, vector<16xf32>,
      %add3A_696 = arith.constant 32 : i32
      %add3A_697 = vector.broadcast %add3A_696 : i32 to vector<16xi32>
      %add3A_698 = arith.addi %iota3A, %add3A_697 : vector<16xi32>
      %gather3A_699 = tpu.vector_load_idx %arg11[%add3A_698, %and3A_34] : memref<128x16xf32, #tpu.memory_space<vmem>>[vector<16xi32>, vector<16xi32>], vector<16xf32>,
      %mul3A_700 = arith.mulf %gather3A_699, %gather3A_699 : vector<16xf32>
      %add3A_701 = arith.constant 0 : i32
      %add3A_702 = arith.addi %mul3A_675, %add3A_701 : i32
      %swap3A_703 = arith.index_cast %add3A_702 : i32 to index
      %swap3A_704 = arith.constant 32 : index
      %swap3A_705 = tpu.vector_load %arg14[%swap3A_703, %swap3A_704] {strides = array<i32>} : memref<128x64xf32, #tpu.memory_space<vmem>>, vector<16xf32>,
      tpu.vector_store %arg14[%swap3A_703, %swap3A_704], %mul3A_700 {strides = array<i32>} : memref<128x64xf32, #tpu.memory_space<vmem>>, vector<16xf32>,
      %add3A_706 = arith.constant 48 : i32
      %add3A_707 = vector.broadcast %add3A_706 : i32 to vector<16xi32>
      %add3A_708 = arith.addi %iota3A, %add3A_707 : vector<16xi32>
      %gather3A_709 = tpu.vector_load_idx %arg11[%add3A_708, %and3A_39] : memref<128x16xf32, #tpu.memory_space<vmem>>[vector<16xi32>, vector<16xi32>], vector<16xf32>,
      %mul3A_710 = arith.mulf %gather3A_709, %gather3A_709 : vector<16xf32>
      %add3A_711 = arith.constant 0 : i32
      %add3A_712 = arith.addi %mul3A_675, %add3A_711 : i32
      %swap3A_713 = arith.index_cast %add3A_712 : i32 to index
      %swap3A_714 = arith.constant 48 : index
      %swap3A_715 = tpu.vector_load %arg14[%swap3A_713, %swap3A_714] {strides = array<i32>} : memref<128x64xf32, #tpu.memory_space<vmem>>, vector<16xf32>,
      tpu.vector_store %arg14[%swap3A_713, %swap3A_714], %mul3A_710 {strides = array<i32>} : memref<128x64xf32, #tpu.memory_space<vmem>>, vector<16xf32>,
      %add3A_716 = arith.constant 64 : i32
      %add3A_717 = vector.broadcast %add3A_716 : i32 to vector<16xi32>
      %add3A_718 = arith.addi %iota3A, %add3A_717 : vector<16xi32>
      %gather3A_719 = tpu.vector_load_idx %arg11[%add3A_718, %and3A_24] : memref<128x16xf32, #tpu.memory_space<vmem>>[vector<16xi32>, vector<16xi32>], vector<16xf32>,
      %mul3A_720 = arith.mulf %gather3A_719, %gather3A_719 : vector<16xf32>
      %add3A_721 = arith.constant 1 : i32
      %add3A_722 = arith.addi %mul3A_675, %add3A_721 : i32
      %swap3A_723 = arith.index_cast %add3A_722 : i32 to index
      %swap3A_724 = arith.constant 0 : index
      %swap3A_725 = tpu.vector_load %arg14[%swap3A_723, %swap3A_724] {strides = array<i32>} : memref<128x64xf32, #tpu.memory_space<vmem>>, vector<16xf32>,
      tpu.vector_store %arg14[%swap3A_723, %swap3A_724], %mul3A_720 {strides = array<i32>} : memref<128x64xf32, #tpu.memory_space<vmem>>, vector<16xf32>,
      %add3A_726 = arith.constant 80 : i32
      %add3A_727 = vector.broadcast %add3A_726 : i32 to vector<16xi32>
      %add3A_728 = arith.addi %iota3A, %add3A_727 : vector<16xi32>
      %gather3A_729 = tpu.vector_load_idx %arg11[%add3A_728, %and3A_29] : memref<128x16xf32, #tpu.memory_space<vmem>>[vector<16xi32>, vector<16xi32>], vector<16xf32>,
      %mul3A_730 = arith.mulf %gather3A_729, %gather3A_729 : vector<16xf32>
      %add3A_731 = arith.constant 1 : i32
      %add3A_732 = arith.addi %mul3A_675, %add3A_731 : i32
      %swap3A_733 = arith.index_cast %add3A_732 : i32 to index
      %swap3A_734 = arith.constant 16 : index
      %swap3A_735 = tpu.vector_load %arg14[%swap3A_733, %swap3A_734] {strides = array<i32>} : memref<128x64xf32, #tpu.memory_space<vmem>>, vector<16xf32>,
      tpu.vector_store %arg14[%swap3A_733, %swap3A_734], %mul3A_730 {strides = array<i32>} : memref<128x64xf32, #tpu.memory_space<vmem>>, vector<16xf32>,
      %add3A_736 = arith.constant 96 : i32
      %add3A_737 = vector.broadcast %add3A_736 : i32 to vector<16xi32>
      %add3A_738 = arith.addi %iota3A, %add3A_737 : vector<16xi32>
      %gather3A_739 = tpu.vector_load_idx %arg11[%add3A_738, %and3A_34] : memref<128x16xf32, #tpu.memory_space<vmem>>[vector<16xi32>, vector<16xi32>], vector<16xf32>,
      %mul3A_740 = arith.mulf %gather3A_739, %gather3A_739 : vector<16xf32>
      %add3A_741 = arith.constant 1 : i32
      %add3A_742 = arith.addi %mul3A_675, %add3A_741 : i32
      %swap3A_743 = arith.index_cast %add3A_742 : i32 to index
      %swap3A_744 = arith.constant 32 : index
      %swap3A_745 = tpu.vector_load %arg14[%swap3A_743, %swap3A_744] {strides = array<i32>} : memref<128x64xf32, #tpu.memory_space<vmem>>, vector<16xf32>,
      tpu.vector_store %arg14[%swap3A_743, %swap3A_744], %mul3A_740 {strides = array<i32>} : memref<128x64xf32, #tpu.memory_space<vmem>>, vector<16xf32>,
      %add3A_746 = arith.constant 112 : i32
      %add3A_747 = vector.broadcast %add3A_746 : i32 to vector<16xi32>
      %add3A_748 = arith.addi %iota3A, %add3A_747 : vector<16xi32>
      %gather3A_749 = tpu.vector_load_idx %arg11[%add3A_748, %and3A_39] : memref<128x16xf32, #tpu.memory_space<vmem>>[vector<16xi32>, vector<16xi32>], vector<16xf32>,
      %mul3A_750 = arith.mulf %gather3A_749, %gather3A_749 : vector<16xf32>
      %add3A_751 = arith.constant 1 : i32
      %add3A_752 = arith.addi %mul3A_675, %add3A_751 : i32
      %swap3A_753 = arith.index_cast %add3A_752 : i32 to index
      %swap3A_754 = arith.constant 48 : index
      %swap3A_755 = tpu.vector_load %arg14[%swap3A_753, %swap3A_754] {strides = array<i32>} : memref<128x64xf32, #tpu.memory_space<vmem>>, vector<16xf32>,
      tpu.vector_store %arg14[%swap3A_753, %swap3A_754], %mul3A_750 {strides = array<i32>} : memref<128x64xf32, #tpu.memory_space<vmem>>, vector<16xf32>,
      %add3A_756 = arith.constant 4 : i32
      %add3A_757 = arith.addi %add3A_667, %add3A_756 : i32
      %mul3A_758 = arith.constant 2 : i32
      %mul3A_759 = arith.muli %mul3A_758, %add3A_757 : i32
      %add3A_760 = arith.addi %mul3A_2, %mul3A_759 : i32
      %mul3A_761 = arith.constant 1024 : i32
      %mul3A_762 = arith.muli %add3A_760, %mul3A_761 : i32
      %add3A_763 = arith.constant 0 : i32
      %add3A_764 = arith.addi %mul3A_762, %add3A_763 : i32
      %add3A_765 = vector.broadcast %add3A_764 : i32 to vector<16xi32>
      %add3A_766 = arith.addi %shift_right_arithmetic3A_5, %add3A_765 : vector<16xi32>
      %swap3A_767 = arith.constant 0 : index
      %swap3A_768 = tpu.vector_load %arg7[%swap3A_767] {strides = array<i32>} : memref<128xi32, #tpu.memory_space<vmem>>, vector<16xi32>,
      tpu.vector_store %arg7[%swap3A_767], %add3A_766 {strides = array<i32>} : memref<128xi32, #tpu.memory_space<vmem>>, vector<16xi32>,
      %add3A_769 = vector.broadcast %add3A_764 : i32 to vector<16xi32>
      %add3A_770 = arith.addi %shift_right_arithmetic3A_10, %add3A_769 : vector<16xi32>
      %swap3A_771 = arith.constant 16 : index
      %swap3A_772 = tpu.vector_load %arg7[%swap3A_771] {strides = array<i32>} : memref<128xi32, #tpu.memory_space<vmem>>, vector<16xi32>,
      tpu.vector_store %arg7[%swap3A_771], %add3A_770 {strides = array<i32>} : memref<128xi32, #tpu.memory_space<vmem>>, vector<16xi32>,
      %add3A_773 = vector.broadcast %add3A_764 : i32 to vector<16xi32>
      %add3A_774 = arith.addi %shift_right_arithmetic3A_15, %add3A_773 : vector<16xi32>
      %swap3A_775 = arith.constant 32 : index
      %swap3A_776 = tpu.vector_load %arg7[%swap3A_775] {strides = array<i32>} : memref<128xi32, #tpu.memory_space<vmem>>, vector<16xi32>,
      tpu.vector_store %arg7[%swap3A_775], %add3A_774 {strides = array<i32>} : memref<128xi32, #tpu.memory_space<vmem>>, vector<16xi32>,
      %add3A_777 = vector.broadcast %add3A_764 : i32 to vector<16xi32>
      %add3A_778 = arith.addi %shift_right_arithmetic3A_20, %add3A_777 : vector<16xi32>
      %swap3A_779 = arith.constant 48 : index
      %swap3A_780 = tpu.vector_load %arg7[%swap3A_779] {strides = array<i32>} : memref<128xi32, #tpu.memory_space<vmem>>, vector<16xi32>,
      tpu.vector_store %arg7[%swap3A_779], %add3A_778 {strides = array<i32>} : memref<128xi32, #tpu.memory_space<vmem>>, vector<16xi32>,
      %add3A_781 = arith.constant 1024 : i32
      %add3A_782 = arith.addi %mul3A_762, %add3A_781 : i32
      %add3A_783 = vector.broadcast %add3A_782 : i32 to vector<16xi32>
      %add3A_784 = arith.addi %shift_right_arithmetic3A_5, %add3A_783 : vector<16xi32>
      %swap3A_785 = arith.constant 64 : index
      %swap3A_786 = tpu.vector_load %arg7[%swap3A_785] {strides = array<i32>} : memref<128xi32, #tpu.memory_space<vmem>>, vector<16xi32>,
      tpu.vector_store %arg7[%swap3A_785], %add3A_784 {strides = array<i32>} : memref<128xi32, #tpu.memory_space<vmem>>, vector<16xi32>,
      %add3A_787 = vector.broadcast %add3A_782 : i32 to vector<16xi32>
      %add3A_788 = arith.addi %shift_right_arithmetic3A_10, %add3A_787 : vector<16xi32>
      %swap3A_789 = arith.constant 80 : index
      %swap3A_790 = tpu.vector_load %arg7[%swap3A_789] {strides = array<i32>} : memref<128xi32, #tpu.memory_space<vmem>>, vector<16xi32>,
      tpu.vector_store %arg7[%swap3A_789], %add3A_788 {strides = array<i32>} : memref<128xi32, #tpu.memory_space<vmem>>, vector<16xi32>,
      %add3A_791 = vector.broadcast %add3A_782 : i32 to vector<16xi32>
      %add3A_792 = arith.addi %shift_right_arithmetic3A_15, %add3A_791 : vector<16xi32>
      %swap3A_793 = arith.constant 96 : index
      %swap3A_794 = tpu.vector_load %arg7[%swap3A_793] {strides = array<i32>} : memref<128xi32, #tpu.memory_space<vmem>>, vector<16xi32>,
      tpu.vector_store %arg7[%swap3A_793], %add3A_792 {strides = array<i32>} : memref<128xi32, #tpu.memory_space<vmem>>, vector<16xi32>,
      %add3A_795 = vector.broadcast %add3A_782 : i32 to vector<16xi32>
      %add3A_796 = arith.addi %shift_right_arithmetic3A_20, %add3A_795 : vector<16xi32>
      %swap3A_797 = arith.constant 112 : index
      %swap3A_798 = tpu.vector_load %arg7[%swap3A_797] {strides = array<i32>} : memref<128xi32, #tpu.memory_space<vmem>>, vector<16xi32>,
      tpu.vector_store %arg7[%swap3A_797], %add3A_796 {strides = array<i32>} : memref<128xi32, #tpu.memory_space<vmem>>, vector<16xi32>,
      %dma_start3A_799 = arith.constant 0 : i32
      %dma_start3A_800 = arith.constant 0 : i32
      %dma_start3A_801 = tpu.memref_slice %arg2[%dma_start3A_799, %dma_start3A_800] : memref<4194304x16xf32, #tpu.memory_space<hbm>> -> memref<4194304x16xf32, #tpu.memory_space<hbm>>
      tpu.enqueue_indirect_dma source(%dma_start3A_801 : memref<4194304x16xf32, #tpu.memory_space<hbm>>) target(%arg11 : memref<128x16xf32, #tpu.memory_space<vmem>>) offsets(%arg7 : memref<128xi32, #tpu.memory_space<vmem>>) semaphore(%arg16 : memref<!tpu.dma_semaphore, #tpu.memory_space<semaphore_mem>>)
      %mul3A_802 = arith.constant 4 : i32
      %mul3A_803 = arith.muli %scan3A_525, %mul3A_802 : i32
      %add3A_804 = arith.constant 2 : i32
      %add3A_805 = arith.addi %mul3A_803, %add3A_804 : i32
      %dma_wait3A_806 = arith.constant 0 : i32
      %dma_wait3A_807 = arith.constant 0 : i32
      %dma_wait3A_808 = tpu.memref_slice %arg2[%dma_wait3A_806, %dma_wait3A_807] : memref<4194304x16xf32, #tpu.memory_space<hbm>> -> memref<128x16xf32, #tpu.memory_space<hbm>>
      %dma_wait3A_809 = arith.constant 0 : i32
      %dma_wait3A_810 = arith.constant 0 : i32
      %dma_wait3A_811 = tpu.memref_slice %arg2[%dma_wait3A_809, %dma_wait3A_810] : memref<4194304x16xf32, #tpu.memory_space<hbm>> -> memref<128x16xf32, #tpu.memory_space<hbm>>
      tpu.wait_dma2 semaphore(%arg17 : memref<!tpu.dma_semaphore, #tpu.memory_space<semaphore_mem>>) src(%dma_wait3A_811 : memref<128x16xf32, #tpu.memory_space<hbm>>) dst(%arg12 : memref<128x16xf32, #tpu.memory_space<vmem>>)
      %mul3A_812 = arith.constant 2 : i32
      %mul3A_813 = arith.muli %mul3A_812, %add3A_805 : i32
      %add3A_814 = arith.constant 0 : i32
      %add3A_815 = vector.broadcast %add3A_814 : i32 to vector<16xi32>
      %add3A_816 = arith.addi %iota3A, %add3A_815 : vector<16xi32>
      %gather3A_817 = tpu.vector_load_idx %arg12[%add3A_816, %and3A_24] : memref<128x16xf32, #tpu.memory_space<vmem>>[vector<16xi32>, vector<16xi32>], vector<16xf32>,
      %mul3A_818 = arith.mulf %gather3A_817, %gather3A_817 : vector<16xf32>
      %add3A_819 = arith.constant 0 : i32
      %add3A_820 = arith.addi %mul3A_813, %add3A_819 : i32
      %swap3A_821 = arith.index_cast %add3A_820 : i32 to index
      %swap3A_822 = arith.constant 0 : index
      %swap3A_823 = tpu.vector_load %arg14[%swap3A_821, %swap3A_822] {strides = array<i32>} : memref<128x64xf32, #tpu.memory_space<vmem>>, vector<16xf32>,
      tpu.vector_store %arg14[%swap3A_821, %swap3A_822], %mul3A_818 {strides = array<i32>} : memref<128x64xf32, #tpu.memory_space<vmem>>, vector<16xf32>,
      %add3A_824 = arith.constant 16 : i32
      %add3A_825 = vector.broadcast %add3A_824 : i32 to vector<16xi32>
      %add3A_826 = arith.addi %iota3A, %add3A_825 : vector<16xi32>
      %gather3A_827 = tpu.vector_load_idx %arg12[%add3A_826, %and3A_29] : memref<128x16xf32, #tpu.memory_space<vmem>>[vector<16xi32>, vector<16xi32>], vector<16xf32>,
      %mul3A_828 = arith.mulf %gather3A_827, %gather3A_827 : vector<16xf32>
      %add3A_829 = arith.constant 0 : i32
      %add3A_830 = arith.addi %mul3A_813, %add3A_829 : i32
      %swap3A_831 = arith.index_cast %add3A_830 : i32 to index
      %swap3A_832 = arith.constant 16 : index
      %swap3A_833 = tpu.vector_load %arg14[%swap3A_831, %swap3A_832] {strides = array<i32>} : memref<128x64xf32, #tpu.memory_space<vmem>>, vector<16xf32>,
      tpu.vector_store %arg14[%swap3A_831, %swap3A_832], %mul3A_828 {strides = array<i32>} : memref<128x64xf32, #tpu.memory_space<vmem>>, vector<16xf32>,
      %add3A_834 = arith.constant 32 : i32
      %add3A_835 = vector.broadcast %add3A_834 : i32 to vector<16xi32>
      %add3A_836 = arith.addi %iota3A, %add3A_835 : vector<16xi32>
      %gather3A_837 = tpu.vector_load_idx %arg12[%add3A_836, %and3A_34] : memref<128x16xf32, #tpu.memory_space<vmem>>[vector<16xi32>, vector<16xi32>], vector<16xf32>,
      %mul3A_838 = arith.mulf %gather3A_837, %gather3A_837 : vector<16xf32>
      %add3A_839 = arith.constant 0 : i32
      %add3A_840 = arith.addi %mul3A_813, %add3A_839 : i32
      %swap3A_841 = arith.index_cast %add3A_840 : i32 to index
      %swap3A_842 = arith.constant 32 : index
      %swap3A_843 = tpu.vector_load %arg14[%swap3A_841, %swap3A_842] {strides = array<i32>} : memref<128x64xf32, #tpu.memory_space<vmem>>, vector<16xf32>,
      tpu.vector_store %arg14[%swap3A_841, %swap3A_842], %mul3A_838 {strides = array<i32>} : memref<128x64xf32, #tpu.memory_space<vmem>>, vector<16xf32>,
      %add3A_844 = arith.constant 48 : i32
      %add3A_845 = vector.broadcast %add3A_844 : i32 to vector<16xi32>
      %add3A_846 = arith.addi %iota3A, %add3A_845 : vector<16xi32>
      %gather3A_847 = tpu.vector_load_idx %arg12[%add3A_846, %and3A_39] : memref<128x16xf32, #tpu.memory_space<vmem>>[vector<16xi32>, vector<16xi32>], vector<16xf32>,
      %mul3A_848 = arith.mulf %gather3A_847, %gather3A_847 : vector<16xf32>
      %add3A_849 = arith.constant 0 : i32
      %add3A_850 = arith.addi %mul3A_813, %add3A_849 : i32
      %swap3A_851 = arith.index_cast %add3A_850 : i32 to index
      %swap3A_852 = arith.constant 48 : index
      %swap3A_853 = tpu.vector_load %arg14[%swap3A_851, %swap3A_852] {strides = array<i32>} : memref<128x64xf32, #tpu.memory_space<vmem>>, vector<16xf32>,
      tpu.vector_store %arg14[%swap3A_851, %swap3A_852], %mul3A_848 {strides = array<i32>} : memref<128x64xf32, #tpu.memory_space<vmem>>, vector<16xf32>,
      %add3A_854 = arith.constant 64 : i32
      %add3A_855 = vector.broadcast %add3A_854 : i32 to vector<16xi32>
      %add3A_856 = arith.addi %iota3A, %add3A_855 : vector<16xi32>
      %gather3A_857 = tpu.vector_load_idx %arg12[%add3A_856, %and3A_24] : memref<128x16xf32, #tpu.memory_space<vmem>>[vector<16xi32>, vector<16xi32>], vector<16xf32>,
      %mul3A_858 = arith.mulf %gather3A_857, %gather3A_857 : vector<16xf32>
      %add3A_859 = arith.constant 1 : i32
      %add3A_860 = arith.addi %mul3A_813, %add3A_859 : i32
      %swap3A_861 = arith.index_cast %add3A_860 : i32 to index
      %swap3A_862 = arith.constant 0 : index
      %swap3A_863 = tpu.vector_load %arg14[%swap3A_861, %swap3A_862] {strides = array<i32>} : memref<128x64xf32, #tpu.memory_space<vmem>>, vector<16xf32>,
      tpu.vector_store %arg14[%swap3A_861, %swap3A_862], %mul3A_858 {strides = array<i32>} : memref<128x64xf32, #tpu.memory_space<vmem>>, vector<16xf32>,
      %add3A_864 = arith.constant 80 : i32
      %add3A_865 = vector.broadcast %add3A_864 : i32 to vector<16xi32>
      %add3A_866 = arith.addi %iota3A, %add3A_865 : vector<16xi32>
      %gather3A_867 = tpu.vector_load_idx %arg12[%add3A_866, %and3A_29] : memref<128x16xf32, #tpu.memory_space<vmem>>[vector<16xi32>, vector<16xi32>], vector<16xf32>,
      %mul3A_868 = arith.mulf %gather3A_867, %gather3A_867 : vector<16xf32>
      %add3A_869 = arith.constant 1 : i32
      %add3A_870 = arith.addi %mul3A_813, %add3A_869 : i32
      %swap3A_871 = arith.index_cast %add3A_870 : i32 to index
      %swap3A_872 = arith.constant 16 : index
      %swap3A_873 = tpu.vector_load %arg14[%swap3A_871, %swap3A_872] {strides = array<i32>} : memref<128x64xf32, #tpu.memory_space<vmem>>, vector<16xf32>,
      tpu.vector_store %arg14[%swap3A_871, %swap3A_872], %mul3A_868 {strides = array<i32>} : memref<128x64xf32, #tpu.memory_space<vmem>>, vector<16xf32>,
      %add3A_874 = arith.constant 96 : i32
      %add3A_875 = vector.broadcast %add3A_874 : i32 to vector<16xi32>
      %add3A_876 = arith.addi %iota3A, %add3A_875 : vector<16xi32>
      %gather3A_877 = tpu.vector_load_idx %arg12[%add3A_876, %and3A_34] : memref<128x16xf32, #tpu.memory_space<vmem>>[vector<16xi32>, vector<16xi32>], vector<16xf32>,
      %mul3A_878 = arith.mulf %gather3A_877, %gather3A_877 : vector<16xf32>
      %add3A_879 = arith.constant 1 : i32
      %add3A_880 = arith.addi %mul3A_813, %add3A_879 : i32
      %swap3A_881 = arith.index_cast %add3A_880 : i32 to index
      %swap3A_882 = arith.constant 32 : index
      %swap3A_883 = tpu.vector_load %arg14[%swap3A_881, %swap3A_882] {strides = array<i32>} : memref<128x64xf32, #tpu.memory_space<vmem>>, vector<16xf32>,
      tpu.vector_store %arg14[%swap3A_881, %swap3A_882], %mul3A_878 {strides = array<i32>} : memref<128x64xf32, #tpu.memory_space<vmem>>, vector<16xf32>,
      %add3A_884 = arith.constant 112 : i32
      %add3A_885 = vector.broadcast %add3A_884 : i32 to vector<16xi32>
      %add3A_886 = arith.addi %iota3A, %add3A_885 : vector<16xi32>
      %gather3A_887 = tpu.vector_load_idx %arg12[%add3A_886, %and3A_39] : memref<128x16xf32, #tpu.memory_space<vmem>>[vector<16xi32>, vector<16xi32>], vector<16xf32>,
      %mul3A_888 = arith.mulf %gather3A_887, %gather3A_887 : vector<16xf32>
      %add3A_889 = arith.constant 1 : i32
      %add3A_890 = arith.addi %mul3A_813, %add3A_889 : i32
      %swap3A_891 = arith.index_cast %add3A_890 : i32 to index
      %swap3A_892 = arith.constant 48 : index
      %swap3A_893 = tpu.vector_load %arg14[%swap3A_891, %swap3A_892] {strides = array<i32>} : memref<128x64xf32, #tpu.memory_space<vmem>>, vector<16xf32>,
      tpu.vector_store %arg14[%swap3A_891, %swap3A_892], %mul3A_888 {strides = array<i32>} : memref<128x64xf32, #tpu.memory_space<vmem>>, vector<16xf32>,
      %add3A_894 = arith.constant 4 : i32
      %add3A_895 = arith.addi %add3A_805, %add3A_894 : i32
      %mul3A_896 = arith.constant 2 : i32
      %mul3A_897 = arith.muli %mul3A_896, %add3A_895 : i32
      %add3A_898 = arith.addi %mul3A_2, %mul3A_897 : i32
      %mul3A_899 = arith.constant 1024 : i32
      %mul3A_900 = arith.muli %add3A_898, %mul3A_899 : i32
      %add3A_901 = arith.constant 0 : i32
      %add3A_902 = arith.addi %mul3A_900, %add3A_901 : i32
      %add3A_903 = vector.broadcast %add3A_902 : i32 to vector<16xi32>
      %add3A_904 = arith.addi %shift_right_arithmetic3A_5, %add3A_903 : vector<16xi32>
      %swap3A_905 = arith.constant 0 : index
      %swap3A_906 = tpu.vector_load %arg8[%swap3A_905] {strides = array<i32>} : memref<128xi32, #tpu.memory_space<vmem>>, vector<16xi32>,
      tpu.vector_store %arg8[%swap3A_905], %add3A_904 {strides = array<i32>} : memref<128xi32, #tpu.memory_space<vmem>>, vector<16xi32>,
      %add3A_907 = vector.broadcast %add3A_902 : i32 to vector<16xi32>
      %add3A_908 = arith.addi %shift_right_arithmetic3A_10, %add3A_907 : vector<16xi32>
      %swap3A_909 = arith.constant 16 : index
      %swap3A_910 = tpu.vector_load %arg8[%swap3A_909] {strides = array<i32>} : memref<128xi32, #tpu.memory_space<vmem>>, vector<16xi32>,
      tpu.vector_store %arg8[%swap3A_909], %add3A_908 {strides = array<i32>} : memref<128xi32, #tpu.memory_space<vmem>>, vector<16xi32>,
      %add3A_911 = vector.broadcast %add3A_902 : i32 to vector<16xi32>
      %add3A_912 = arith.addi %shift_right_arithmetic3A_15, %add3A_911 : vector<16xi32>
      %swap3A_913 = arith.constant 32 : index
      %swap3A_914 = tpu.vector_load %arg8[%swap3A_913] {strides = array<i32>} : memref<128xi32, #tpu.memory_space<vmem>>, vector<16xi32>,
      tpu.vector_store %arg8[%swap3A_913], %add3A_912 {strides = array<i32>} : memref<128xi32, #tpu.memory_space<vmem>>, vector<16xi32>,
      %add3A_915 = vector.broadcast %add3A_902 : i32 to vector<16xi32>
      %add3A_916 = arith.addi %shift_right_arithmetic3A_20, %add3A_915 : vector<16xi32>
      %swap3A_917 = arith.constant 48 : index
      %swap3A_918 = tpu.vector_load %arg8[%swap3A_917] {strides = array<i32>} : memref<128xi32, #tpu.memory_space<vmem>>, vector<16xi32>,
      tpu.vector_store %arg8[%swap3A_917], %add3A_916 {strides = array<i32>} : memref<128xi32, #tpu.memory_space<vmem>>, vector<16xi32>,
      %add3A_919 = arith.constant 1024 : i32
      %add3A_920 = arith.addi %mul3A_900, %add3A_919 : i32
      %add3A_921 = vector.broadcast %add3A_920 : i32 to vector<16xi32>
      %add3A_922 = arith.addi %shift_right_arithmetic3A_5, %add3A_921 : vector<16xi32>
      %swap3A_923 = arith.constant 64 : index
      %swap3A_924 = tpu.vector_load %arg8[%swap3A_923] {strides = array<i32>} : memref<128xi32, #tpu.memory_space<vmem>>, vector<16xi32>,
      tpu.vector_store %arg8[%swap3A_923], %add3A_922 {strides = array<i32>} : memref<128xi32, #tpu.memory_space<vmem>>, vector<16xi32>,
      %add3A_925 = vector.broadcast %add3A_920 : i32 to vector<16xi32>
      %add3A_926 = arith.addi %shift_right_arithmetic3A_10, %add3A_925 : vector<16xi32>
      %swap3A_927 = arith.constant 80 : index
      %swap3A_928 = tpu.vector_load %arg8[%swap3A_927] {strides = array<i32>} : memref<128xi32, #tpu.memory_space<vmem>>, vector<16xi32>,
      tpu.vector_store %arg8[%swap3A_927], %add3A_926 {strides = array<i32>} : memref<128xi32, #tpu.memory_space<vmem>>, vector<16xi32>,
      %add3A_929 = vector.broadcast %add3A_920 : i32 to vector<16xi32>
      %add3A_930 = arith.addi %shift_right_arithmetic3A_15, %add3A_929 : vector<16xi32>
      %swap3A_931 = arith.constant 96 : index
      %swap3A_932 = tpu.vector_load %arg8[%swap3A_931] {strides = array<i32>} : memref<128xi32, #tpu.memory_space<vmem>>, vector<16xi32>,
      tpu.vector_store %arg8[%swap3A_931], %add3A_930 {strides = array<i32>} : memref<128xi32, #tpu.memory_space<vmem>>, vector<16xi32>,
      %add3A_933 = vector.broadcast %add3A_920 : i32 to vector<16xi32>
      %add3A_934 = arith.addi %shift_right_arithmetic3A_20, %add3A_933 : vector<16xi32>
      %swap3A_935 = arith.constant 112 : index
      %swap3A_936 = tpu.vector_load %arg8[%swap3A_935] {strides = array<i32>} : memref<128xi32, #tpu.memory_space<vmem>>, vector<16xi32>,
      tpu.vector_store %arg8[%swap3A_935], %add3A_934 {strides = array<i32>} : memref<128xi32, #tpu.memory_space<vmem>>, vector<16xi32>,
      %dma_start3A_937 = arith.constant 0 : i32
      %dma_start3A_938 = arith.constant 0 : i32
      %dma_start3A_939 = tpu.memref_slice %arg2[%dma_start3A_937, %dma_start3A_938] : memref<4194304x16xf32, #tpu.memory_space<hbm>> -> memref<4194304x16xf32, #tpu.memory_space<hbm>>
      tpu.enqueue_indirect_dma source(%dma_start3A_939 : memref<4194304x16xf32, #tpu.memory_space<hbm>>) target(%arg12 : memref<128x16xf32, #tpu.memory_space<vmem>>) offsets(%arg8 : memref<128xi32, #tpu.memory_space<vmem>>) semaphore(%arg17 : memref<!tpu.dma_semaphore, #tpu.memory_space<semaphore_mem>>)
      %mul3A_940 = arith.constant 4 : i32
      %mul3A_941 = arith.muli %scan3A_525, %mul3A_940 : i32
      %add3A_942 = arith.constant 3 : i32
      %add3A_943 = arith.addi %mul3A_941, %add3A_942 : i32
      %dma_wait3A_944 = arith.constant 0 : i32
      %dma_wait3A_945 = arith.constant 0 : i32
      %dma_wait3A_946 = tpu.memref_slice %arg2[%dma_wait3A_944, %dma_wait3A_945] : memref<4194304x16xf32, #tpu.memory_space<hbm>> -> memref<128x16xf32, #tpu.memory_space<hbm>>
      %dma_wait3A_947 = arith.constant 0 : i32
      %dma_wait3A_948 = arith.constant 0 : i32
      %dma_wait3A_949 = tpu.memref_slice %arg2[%dma_wait3A_947, %dma_wait3A_948] : memref<4194304x16xf32, #tpu.memory_space<hbm>> -> memref<128x16xf32, #tpu.memory_space<hbm>>
      tpu.wait_dma2 semaphore(%arg18 : memref<!tpu.dma_semaphore, #tpu.memory_space<semaphore_mem>>) src(%dma_wait3A_949 : memref<128x16xf32, #tpu.memory_space<hbm>>) dst(%arg13 : memref<128x16xf32, #tpu.memory_space<vmem>>)
      %mul3A_950 = arith.constant 2 : i32
      %mul3A_951 = arith.muli %mul3A_950, %add3A_943 : i32
      %add3A_952 = arith.constant 0 : i32
      %add3A_953 = vector.broadcast %add3A_952 : i32 to vector<16xi32>
      %add3A_954 = arith.addi %iota3A, %add3A_953 : vector<16xi32>
      %gather3A_955 = tpu.vector_load_idx %arg13[%add3A_954, %and3A_24] : memref<128x16xf32, #tpu.memory_space<vmem>>[vector<16xi32>, vector<16xi32>], vector<16xf32>,
      %mul3A_956 = arith.mulf %gather3A_955, %gather3A_955 : vector<16xf32>
      %add3A_957 = arith.constant 0 : i32
      %add3A_958 = arith.addi %mul3A_951, %add3A_957 : i32
      %swap3A_959 = arith.index_cast %add3A_958 : i32 to index
      %swap3A_960 = arith.constant 0 : index
      %swap3A_961 = tpu.vector_load %arg14[%swap3A_959, %swap3A_960] {strides = array<i32>} : memref<128x64xf32, #tpu.memory_space<vmem>>, vector<16xf32>,
      tpu.vector_store %arg14[%swap3A_959, %swap3A_960], %mul3A_956 {strides = array<i32>} : memref<128x64xf32, #tpu.memory_space<vmem>>, vector<16xf32>,
      %add3A_962 = arith.constant 16 : i32
      %add3A_963 = vector.broadcast %add3A_962 : i32 to vector<16xi32>
      %add3A_964 = arith.addi %iota3A, %add3A_963 : vector<16xi32>
      %gather3A_965 = tpu.vector_load_idx %arg13[%add3A_964, %and3A_29] : memref<128x16xf32, #tpu.memory_space<vmem>>[vector<16xi32>, vector<16xi32>], vector<16xf32>,
      %mul3A_966 = arith.mulf %gather3A_965, %gather3A_965 : vector<16xf32>
      %add3A_967 = arith.constant 0 : i32
      %add3A_968 = arith.addi %mul3A_951, %add3A_967 : i32
      %swap3A_969 = arith.index_cast %add3A_968 : i32 to index
      %swap3A_970 = arith.constant 16 : index
      %swap3A_971 = tpu.vector_load %arg14[%swap3A_969, %swap3A_970] {strides = array<i32>} : memref<128x64xf32, #tpu.memory_space<vmem>>, vector<16xf32>,
      tpu.vector_store %arg14[%swap3A_969, %swap3A_970], %mul3A_966 {strides = array<i32>} : memref<128x64xf32, #tpu.memory_space<vmem>>, vector<16xf32>,
      %add3A_972 = arith.constant 32 : i32
      %add3A_973 = vector.broadcast %add3A_972 : i32 to vector<16xi32>
      %add3A_974 = arith.addi %iota3A, %add3A_973 : vector<16xi32>
      %gather3A_975 = tpu.vector_load_idx %arg13[%add3A_974, %and3A_34] : memref<128x16xf32, #tpu.memory_space<vmem>>[vector<16xi32>, vector<16xi32>], vector<16xf32>,
      %mul3A_976 = arith.mulf %gather3A_975, %gather3A_975 : vector<16xf32>
      %add3A_977 = arith.constant 0 : i32
      %add3A_978 = arith.addi %mul3A_951, %add3A_977 : i32
      %swap3A_979 = arith.index_cast %add3A_978 : i32 to index
      %swap3A_980 = arith.constant 32 : index
      %swap3A_981 = tpu.vector_load %arg14[%swap3A_979, %swap3A_980] {strides = array<i32>} : memref<128x64xf32, #tpu.memory_space<vmem>>, vector<16xf32>,
      tpu.vector_store %arg14[%swap3A_979, %swap3A_980], %mul3A_976 {strides = array<i32>} : memref<128x64xf32, #tpu.memory_space<vmem>>, vector<16xf32>,
      %add3A_982 = arith.constant 48 : i32
      %add3A_983 = vector.broadcast %add3A_982 : i32 to vector<16xi32>
      %add3A_984 = arith.addi %iota3A, %add3A_983 : vector<16xi32>
      %gather3A_985 = tpu.vector_load_idx %arg13[%add3A_984, %and3A_39] : memref<128x16xf32, #tpu.memory_space<vmem>>[vector<16xi32>, vector<16xi32>], vector<16xf32>,
      %mul3A_986 = arith.mulf %gather3A_985, %gather3A_985 : vector<16xf32>
      %add3A_987 = arith.constant 0 : i32
      %add3A_988 = arith.addi %mul3A_951, %add3A_987 : i32
      %swap3A_989 = arith.index_cast %add3A_988 : i32 to index
      %swap3A_990 = arith.constant 48 : index
      %swap3A_991 = tpu.vector_load %arg14[%swap3A_989, %swap3A_990] {strides = array<i32>} : memref<128x64xf32, #tpu.memory_space<vmem>>, vector<16xf32>,
      tpu.vector_store %arg14[%swap3A_989, %swap3A_990], %mul3A_986 {strides = array<i32>} : memref<128x64xf32, #tpu.memory_space<vmem>>, vector<16xf32>,
      %add3A_992 = arith.constant 64 : i32
      %add3A_993 = vector.broadcast %add3A_992 : i32 to vector<16xi32>
      %add3A_994 = arith.addi %iota3A, %add3A_993 : vector<16xi32>
      %gather3A_995 = tpu.vector_load_idx %arg13[%add3A_994, %and3A_24] : memref<128x16xf32, #tpu.memory_space<vmem>>[vector<16xi32>, vector<16xi32>], vector<16xf32>,
      %mul3A_996 = arith.mulf %gather3A_995, %gather3A_995 : vector<16xf32>
      %add3A_997 = arith.constant 1 : i32
      %add3A_998 = arith.addi %mul3A_951, %add3A_997 : i32
      %swap3A_999 = arith.index_cast %add3A_998 : i32 to index
      %swap3A_1000 = arith.constant 0 : index
      %swap3A_1001 = tpu.vector_load %arg14[%swap3A_999, %swap3A_1000] {strides = array<i32>} : memref<128x64xf32, #tpu.memory_space<vmem>>, vector<16xf32>,
      tpu.vector_store %arg14[%swap3A_999, %swap3A_1000], %mul3A_996 {strides = array<i32>} : memref<128x64xf32, #tpu.memory_space<vmem>>, vector<16xf32>,
      %add3A_1002 = arith.constant 80 : i32
      %add3A_1003 = vector.broadcast %add3A_1002 : i32 to vector<16xi32>
      %add3A_1004 = arith.addi %iota3A, %add3A_1003 : vector<16xi32>
      %gather3A_1005 = tpu.vector_load_idx %arg13[%add3A_1004, %and3A_29] : memref<128x16xf32, #tpu.memory_space<vmem>>[vector<16xi32>, vector<16xi32>], vector<16xf32>,
      %mul3A_1006 = arith.mulf %gather3A_1005, %gather3A_1005 : vector<16xf32>
      %add3A_1007 = arith.constant 1 : i32
      %add3A_1008 = arith.addi %mul3A_951, %add3A_1007 : i32
      %swap3A_1009 = arith.index_cast %add3A_1008 : i32 to index
      %swap3A_1010 = arith.constant 16 : index
      %swap3A_1011 = tpu.vector_load %arg14[%swap3A_1009, %swap3A_1010] {strides = array<i32>} : memref<128x64xf32, #tpu.memory_space<vmem>>, vector<16xf32>,
      tpu.vector_store %arg14[%swap3A_1009, %swap3A_1010], %mul3A_1006 {strides = array<i32>} : memref<128x64xf32, #tpu.memory_space<vmem>>, vector<16xf32>,
      %add3A_1012 = arith.constant 96 : i32
      %add3A_1013 = vector.broadcast %add3A_1012 : i32 to vector<16xi32>
      %add3A_1014 = arith.addi %iota3A, %add3A_1013 : vector<16xi32>
      %gather3A_1015 = tpu.vector_load_idx %arg13[%add3A_1014, %and3A_34] : memref<128x16xf32, #tpu.memory_space<vmem>>[vector<16xi32>, vector<16xi32>], vector<16xf32>,
      %mul3A_1016 = arith.mulf %gather3A_1015, %gather3A_1015 : vector<16xf32>
      %add3A_1017 = arith.constant 1 : i32
      %add3A_1018 = arith.addi %mul3A_951, %add3A_1017 : i32
      %swap3A_1019 = arith.index_cast %add3A_1018 : i32 to index
      %swap3A_1020 = arith.constant 32 : index
      %swap3A_1021 = tpu.vector_load %arg14[%swap3A_1019, %swap3A_1020] {strides = array<i32>} : memref<128x64xf32, #tpu.memory_space<vmem>>, vector<16xf32>,
      tpu.vector_store %arg14[%swap3A_1019, %swap3A_1020], %mul3A_1016 {strides = array<i32>} : memref<128x64xf32, #tpu.memory_space<vmem>>, vector<16xf32>,
      %add3A_1022 = arith.constant 112 : i32
      %add3A_1023 = vector.broadcast %add3A_1022 : i32 to vector<16xi32>
      %add3A_1024 = arith.addi %iota3A, %add3A_1023 : vector<16xi32>
      %gather3A_1025 = tpu.vector_load_idx %arg13[%add3A_1024, %and3A_39] : memref<128x16xf32, #tpu.memory_space<vmem>>[vector<16xi32>, vector<16xi32>], vector<16xf32>,
      %mul3A_1026 = arith.mulf %gather3A_1025, %gather3A_1025 : vector<16xf32>
      %add3A_1027 = arith.constant 1 : i32
      %add3A_1028 = arith.addi %mul3A_951, %add3A_1027 : i32
      %swap3A_1029 = arith.index_cast %add3A_1028 : i32 to index
      %swap3A_1030 = arith.constant 48 : index
      %swap3A_1031 = tpu.vector_load %arg14[%swap3A_1029, %swap3A_1030] {strides = array<i32>} : memref<128x64xf32, #tpu.memory_space<vmem>>, vector<16xf32>,
      tpu.vector_store %arg14[%swap3A_1029, %swap3A_1030], %mul3A_1026 {strides = array<i32>} : memref<128x64xf32, #tpu.memory_space<vmem>>, vector<16xf32>,
      %add3A_1032 = arith.constant 4 : i32
      %add3A_1033 = arith.addi %add3A_943, %add3A_1032 : i32
      %mul3A_1034 = arith.constant 2 : i32
      %mul3A_1035 = arith.muli %mul3A_1034, %add3A_1033 : i32
      %add3A_1036 = arith.addi %mul3A_2, %mul3A_1035 : i32
      %mul3A_1037 = arith.constant 1024 : i32
      %mul3A_1038 = arith.muli %add3A_1036, %mul3A_1037 : i32
      %add3A_1039 = arith.constant 0 : i32
      %add3A_1040 = arith.addi %mul3A_1038, %add3A_1039 : i32
      %add3A_1041 = vector.broadcast %add3A_1040 : i32 to vector<16xi32>
      %add3A_1042 = arith.addi %shift_right_arithmetic3A_5, %add3A_1041 : vector<16xi32>
      %swap3A_1043 = arith.constant 0 : index
      %swap3A_1044 = tpu.vector_load %arg9[%swap3A_1043] {strides = array<i32>} : memref<128xi32, #tpu.memory_space<vmem>>, vector<16xi32>,
      tpu.vector_store %arg9[%swap3A_1043], %add3A_1042 {strides = array<i32>} : memref<128xi32, #tpu.memory_space<vmem>>, vector<16xi32>,
      %add3A_1045 = vector.broadcast %add3A_1040 : i32 to vector<16xi32>
      %add3A_1046 = arith.addi %shift_right_arithmetic3A_10, %add3A_1045 : vector<16xi32>
      %swap3A_1047 = arith.constant 16 : index
      %swap3A_1048 = tpu.vector_load %arg9[%swap3A_1047] {strides = array<i32>} : memref<128xi32, #tpu.memory_space<vmem>>, vector<16xi32>,
      tpu.vector_store %arg9[%swap3A_1047], %add3A_1046 {strides = array<i32>} : memref<128xi32, #tpu.memory_space<vmem>>, vector<16xi32>,
      %add3A_1049 = vector.broadcast %add3A_1040 : i32 to vector<16xi32>
      %add3A_1050 = arith.addi %shift_right_arithmetic3A_15, %add3A_1049 : vector<16xi32>
      %swap3A_1051 = arith.constant 32 : index
      %swap3A_1052 = tpu.vector_load %arg9[%swap3A_1051] {strides = array<i32>} : memref<128xi32, #tpu.memory_space<vmem>>, vector<16xi32>,
      tpu.vector_store %arg9[%swap3A_1051], %add3A_1050 {strides = array<i32>} : memref<128xi32, #tpu.memory_space<vmem>>, vector<16xi32>,
      %add3A_1053 = vector.broadcast %add3A_1040 : i32 to vector<16xi32>
      %add3A_1054 = arith.addi %shift_right_arithmetic3A_20, %add3A_1053 : vector<16xi32>
      %swap3A_1055 = arith.constant 48 : index
      %swap3A_1056 = tpu.vector_load %arg9[%swap3A_1055] {strides = array<i32>} : memref<128xi32, #tpu.memory_space<vmem>>, vector<16xi32>,
      tpu.vector_store %arg9[%swap3A_1055], %add3A_1054 {strides = array<i32>} : memref<128xi32, #tpu.memory_space<vmem>>, vector<16xi32>,
      %add3A_1057 = arith.constant 1024 : i32
      %add3A_1058 = arith.addi %mul3A_1038, %add3A_1057 : i32
      %add3A_1059 = vector.broadcast %add3A_1058 : i32 to vector<16xi32>
      %add3A_1060 = arith.addi %shift_right_arithmetic3A_5, %add3A_1059 : vector<16xi32>
      %swap3A_1061 = arith.constant 64 : index
      %swap3A_1062 = tpu.vector_load %arg9[%swap3A_1061] {strides = array<i32>} : memref<128xi32, #tpu.memory_space<vmem>>, vector<16xi32>,
      tpu.vector_store %arg9[%swap3A_1061], %add3A_1060 {strides = array<i32>} : memref<128xi32, #tpu.memory_space<vmem>>, vector<16xi32>,
      %add3A_1063 = vector.broadcast %add3A_1058 : i32 to vector<16xi32>
      %add3A_1064 = arith.addi %shift_right_arithmetic3A_10, %add3A_1063 : vector<16xi32>
      %swap3A_1065 = arith.constant 80 : index
      %swap3A_1066 = tpu.vector_load %arg9[%swap3A_1065] {strides = array<i32>} : memref<128xi32, #tpu.memory_space<vmem>>, vector<16xi32>,
      tpu.vector_store %arg9[%swap3A_1065], %add3A_1064 {strides = array<i32>} : memref<128xi32, #tpu.memory_space<vmem>>, vector<16xi32>,
      %add3A_1067 = vector.broadcast %add3A_1058 : i32 to vector<16xi32>
      %add3A_1068 = arith.addi %shift_right_arithmetic3A_15, %add3A_1067 : vector<16xi32>
      %swap3A_1069 = arith.constant 96 : index
      %swap3A_1070 = tpu.vector_load %arg9[%swap3A_1069] {strides = array<i32>} : memref<128xi32, #tpu.memory_space<vmem>>, vector<16xi32>,
      tpu.vector_store %arg9[%swap3A_1069], %add3A_1068 {strides = array<i32>} : memref<128xi32, #tpu.memory_space<vmem>>, vector<16xi32>,
      %add3A_1071 = vector.broadcast %add3A_1058 : i32 to vector<16xi32>
      %add3A_1072 = arith.addi %shift_right_arithmetic3A_20, %add3A_1071 : vector<16xi32>
      %swap3A_1073 = arith.constant 112 : index
      %swap3A_1074 = tpu.vector_load %arg9[%swap3A_1073] {strides = array<i32>} : memref<128xi32, #tpu.memory_space<vmem>>, vector<16xi32>,
      tpu.vector_store %arg9[%swap3A_1073], %add3A_1072 {strides = array<i32>} : memref<128xi32, #tpu.memory_space<vmem>>, vector<16xi32>,
      %dma_start3A_1075 = arith.constant 0 : i32
      %dma_start3A_1076 = arith.constant 0 : i32
      %dma_start3A_1077 = tpu.memref_slice %arg2[%dma_start3A_1075, %dma_start3A_1076] : memref<4194304x16xf32, #tpu.memory_space<hbm>> -> memref<4194304x16xf32, #tpu.memory_space<hbm>>
      tpu.enqueue_indirect_dma source(%dma_start3A_1077 : memref<4194304x16xf32, #tpu.memory_space<hbm>>) target(%arg13 : memref<128x16xf32, #tpu.memory_space<vmem>>) offsets(%arg9 : memref<128xi32, #tpu.memory_space<vmem>>) semaphore(%arg18 : memref<!tpu.dma_semaphore, #tpu.memory_space<semaphore_mem>>)
    }
    %scan3A_214 = arith.constant 15 : i32
    %dma_wait3A = arith.constant 0 : i32
    %dma_wait3A_215 = arith.constant 0 : i32
    %dma_wait3A_216 = tpu.memref_slice %arg2[%dma_wait3A, %dma_wait3A_215] : memref<4194304x16xf32, #tpu.memory_space<hbm>> -> memref<128x16xf32, #tpu.memory_space<hbm>>
    %dma_wait3A_217 = arith.constant 0 : i32
    %dma_wait3A_218 = arith.constant 0 : i32
    %dma_wait3A_219 = tpu.memref_slice %arg2[%dma_wait3A_217, %dma_wait3A_218] : memref<4194304x16xf32, #tpu.memory_space<hbm>> -> memref<128x16xf32, #tpu.memory_space<hbm>>
    tpu.wait_dma2 semaphore(%arg15 : memref<!tpu.dma_semaphore, #tpu.memory_space<semaphore_mem>>) src(%dma_wait3A_219 : memref<128x16xf32, #tpu.memory_space<hbm>>) dst(%arg10 : memref<128x16xf32, #tpu.memory_space<vmem>>)
    %add3A_220 = arith.constant 0 : i32
    %add3A_221 = vector.broadcast %add3A_220 : i32 to vector<16xi32>
    %add3A_222 = arith.addi %iota3A, %add3A_221 : vector<16xi32>
    %gather3A = tpu.vector_load_idx %arg10[%add3A_222, %and3A_24] : memref<128x16xf32, #tpu.memory_space<vmem>>[vector<16xi32>, vector<16xi32>], vector<16xf32>,
    %mul3A_223 = arith.mulf %gather3A, %gather3A : vector<16xf32>
    %swap3A_224 = arith.constant 120 : i32
    %swap3A_225 = arith.index_cast %swap3A_224 : i32 to index
    %swap3A_226 = arith.constant 0 : index
    %swap3A_227 = tpu.vector_load %arg14[%swap3A_225, %swap3A_226] {strides = array<i32>} : memref<128x64xf32, #tpu.memory_space<vmem>>, vector<16xf32>,
    tpu.vector_store %arg14[%swap3A_225, %swap3A_226], %mul3A_223 {strides = array<i32>} : memref<128x64xf32, #tpu.memory_space<vmem>>, vector<16xf32>,
    %add3A_228 = arith.constant 16 : i32
    %add3A_229 = vector.broadcast %add3A_228 : i32 to vector<16xi32>
    %add3A_230 = arith.addi %iota3A, %add3A_229 : vector<16xi32>
    %gather3A_231 = tpu.vector_load_idx %arg10[%add3A_230, %and3A_29] : memref<128x16xf32, #tpu.memory_space<vmem>>[vector<16xi32>, vector<16xi32>], vector<16xf32>,
    %mul3A_232 = arith.mulf %gather3A_231, %gather3A_231 : vector<16xf32>
    %swap3A_233 = arith.constant 120 : i32
    %swap3A_234 = arith.index_cast %swap3A_233 : i32 to index
    %swap3A_235 = arith.constant 16 : index
    %swap3A_236 = tpu.vector_load %arg14[%swap3A_234, %swap3A_235] {strides = array<i32>} : memref<128x64xf32, #tpu.memory_space<vmem>>, vector<16xf32>,
    tpu.vector_store %arg14[%swap3A_234, %swap3A_235], %mul3A_232 {strides = array<i32>} : memref<128x64xf32, #tpu.memory_space<vmem>>, vector<16xf32>,
    %add3A_237 = arith.constant 32 : i32
    %add3A_238 = vector.broadcast %add3A_237 : i32 to vector<16xi32>
    %add3A_239 = arith.addi %iota3A, %add3A_238 : vector<16xi32>
    %gather3A_240 = tpu.vector_load_idx %arg10[%add3A_239, %and3A_34] : memref<128x16xf32, #tpu.memory_space<vmem>>[vector<16xi32>, vector<16xi32>], vector<16xf32>,
    %mul3A_241 = arith.mulf %gather3A_240, %gather3A_240 : vector<16xf32>
    %swap3A_242 = arith.constant 120 : i32
    %swap3A_243 = arith.index_cast %swap3A_242 : i32 to index
    %swap3A_244 = arith.constant 32 : index
    %swap3A_245 = tpu.vector_load %arg14[%swap3A_243, %swap3A_244] {strides = array<i32>} : memref<128x64xf32, #tpu.memory_space<vmem>>, vector<16xf32>,
    tpu.vector_store %arg14[%swap3A_243, %swap3A_244], %mul3A_241 {strides = array<i32>} : memref<128x64xf32, #tpu.memory_space<vmem>>, vector<16xf32>,
    %add3A_246 = arith.constant 48 : i32
    %add3A_247 = vector.broadcast %add3A_246 : i32 to vector<16xi32>
    %add3A_248 = arith.addi %iota3A, %add3A_247 : vector<16xi32>
    %gather3A_249 = tpu.vector_load_idx %arg10[%add3A_248, %and3A_39] : memref<128x16xf32, #tpu.memory_space<vmem>>[vector<16xi32>, vector<16xi32>], vector<16xf32>,
    %mul3A_250 = arith.mulf %gather3A_249, %gather3A_249 : vector<16xf32>
    %swap3A_251 = arith.constant 120 : i32
    %swap3A_252 = arith.index_cast %swap3A_251 : i32 to index
    %swap3A_253 = arith.constant 48 : index
    %swap3A_254 = tpu.vector_load %arg14[%swap3A_252, %swap3A_253] {strides = array<i32>} : memref<128x64xf32, #tpu.memory_space<vmem>>, vector<16xf32>,
    tpu.vector_store %arg14[%swap3A_252, %swap3A_253], %mul3A_250 {strides = array<i32>} : memref<128x64xf32, #tpu.memory_space<vmem>>, vector<16xf32>,
    %add3A_255 = arith.constant 64 : i32
    %add3A_256 = vector.broadcast %add3A_255 : i32 to vector<16xi32>
    %add3A_257 = arith.addi %iota3A, %add3A_256 : vector<16xi32>
    %gather3A_258 = tpu.vector_load_idx %arg10[%add3A_257, %and3A_24] : memref<128x16xf32, #tpu.memory_space<vmem>>[vector<16xi32>, vector<16xi32>], vector<16xf32>,
    %mul3A_259 = arith.mulf %gather3A_258, %gather3A_258 : vector<16xf32>
    %swap3A_260 = arith.constant 121 : i32
    %swap3A_261 = arith.index_cast %swap3A_260 : i32 to index
    %swap3A_262 = arith.constant 0 : index
    %swap3A_263 = tpu.vector_load %arg14[%swap3A_261, %swap3A_262] {strides = array<i32>} : memref<128x64xf32, #tpu.memory_space<vmem>>, vector<16xf32>,
    tpu.vector_store %arg14[%swap3A_261, %swap3A_262], %mul3A_259 {strides = array<i32>} : memref<128x64xf32, #tpu.memory_space<vmem>>, vector<16xf32>,
    %add3A_264 = arith.constant 80 : i32
    %add3A_265 = vector.broadcast %add3A_264 : i32 to vector<16xi32>
    %add3A_266 = arith.addi %iota3A, %add3A_265 : vector<16xi32>
    %gather3A_267 = tpu.vector_load_idx %arg10[%add3A_266, %and3A_29] : memref<128x16xf32, #tpu.memory_space<vmem>>[vector<16xi32>, vector<16xi32>], vector<16xf32>,
    %mul3A_268 = arith.mulf %gather3A_267, %gather3A_267 : vector<16xf32>
    %swap3A_269 = arith.constant 121 : i32
    %swap3A_270 = arith.index_cast %swap3A_269 : i32 to index
    %swap3A_271 = arith.constant 16 : index
    %swap3A_272 = tpu.vector_load %arg14[%swap3A_270, %swap3A_271] {strides = array<i32>} : memref<128x64xf32, #tpu.memory_space<vmem>>, vector<16xf32>,
    tpu.vector_store %arg14[%swap3A_270, %swap3A_271], %mul3A_268 {strides = array<i32>} : memref<128x64xf32, #tpu.memory_space<vmem>>, vector<16xf32>,
    %add3A_273 = arith.constant 96 : i32
    %add3A_274 = vector.broadcast %add3A_273 : i32 to vector<16xi32>
    %add3A_275 = arith.addi %iota3A, %add3A_274 : vector<16xi32>
    %gather3A_276 = tpu.vector_load_idx %arg10[%add3A_275, %and3A_34] : memref<128x16xf32, #tpu.memory_space<vmem>>[vector<16xi32>, vector<16xi32>], vector<16xf32>,
    %mul3A_277 = arith.mulf %gather3A_276, %gather3A_276 : vector<16xf32>
    %swap3A_278 = arith.constant 121 : i32
    %swap3A_279 = arith.index_cast %swap3A_278 : i32 to index
    %swap3A_280 = arith.constant 32 : index
    %swap3A_281 = tpu.vector_load %arg14[%swap3A_279, %swap3A_280] {strides = array<i32>} : memref<128x64xf32, #tpu.memory_space<vmem>>, vector<16xf32>,
    tpu.vector_store %arg14[%swap3A_279, %swap3A_280], %mul3A_277 {strides = array<i32>} : memref<128x64xf32, #tpu.memory_space<vmem>>, vector<16xf32>,
    %add3A_282 = arith.constant 112 : i32
    %add3A_283 = vector.broadcast %add3A_282 : i32 to vector<16xi32>
    %add3A_284 = arith.addi %iota3A, %add3A_283 : vector<16xi32>
    %gather3A_285 = tpu.vector_load_idx %arg10[%add3A_284, %and3A_39] : memref<128x16xf32, #tpu.memory_space<vmem>>[vector<16xi32>, vector<16xi32>], vector<16xf32>,
    %mul3A_286 = arith.mulf %gather3A_285, %gather3A_285 : vector<16xf32>
    %swap3A_287 = arith.constant 121 : i32
    %swap3A_288 = arith.index_cast %swap3A_287 : i32 to index
    %swap3A_289 = arith.constant 48 : index
    %swap3A_290 = tpu.vector_load %arg14[%swap3A_288, %swap3A_289] {strides = array<i32>} : memref<128x64xf32, #tpu.memory_space<vmem>>, vector<16xf32>,
    tpu.vector_store %arg14[%swap3A_288, %swap3A_289], %mul3A_286 {strides = array<i32>} : memref<128x64xf32, #tpu.memory_space<vmem>>, vector<16xf32>,
    %dma_wait3A_291 = arith.constant 0 : i32
    %dma_wait3A_292 = arith.constant 0 : i32
    %dma_wait3A_293 = tpu.memref_slice %arg2[%dma_wait3A_291, %dma_wait3A_292] : memref<4194304x16xf32, #tpu.memory_space<hbm>> -> memref<128x16xf32, #tpu.memory_space<hbm>>
    %dma_wait3A_294 = arith.constant 0 : i32
    %dma_wait3A_295 = arith.constant 0 : i32
    %dma_wait3A_296 = tpu.memref_slice %arg2[%dma_wait3A_294, %dma_wait3A_295] : memref<4194304x16xf32, #tpu.memory_space<hbm>> -> memref<128x16xf32, #tpu.memory_space<hbm>>
    tpu.wait_dma2 semaphore(%arg16 : memref<!tpu.dma_semaphore, #tpu.memory_space<semaphore_mem>>) src(%dma_wait3A_296 : memref<128x16xf32, #tpu.memory_space<hbm>>) dst(%arg11 : memref<128x16xf32, #tpu.memory_space<vmem>>)
    %add3A_297 = arith.constant 0 : i32
    %add3A_298 = vector.broadcast %add3A_297 : i32 to vector<16xi32>
    %add3A_299 = arith.addi %iota3A, %add3A_298 : vector<16xi32>
    %gather3A_300 = tpu.vector_load_idx %arg11[%add3A_299, %and3A_24] : memref<128x16xf32, #tpu.memory_space<vmem>>[vector<16xi32>, vector<16xi32>], vector<16xf32>,
    %mul3A_301 = arith.mulf %gather3A_300, %gather3A_300 : vector<16xf32>
    %swap3A_302 = arith.constant 122 : i32
    %swap3A_303 = arith.index_cast %swap3A_302 : i32 to index
    %swap3A_304 = arith.constant 0 : index
    %swap3A_305 = tpu.vector_load %arg14[%swap3A_303, %swap3A_304] {strides = array<i32>} : memref<128x64xf32, #tpu.memory_space<vmem>>, vector<16xf32>,
    tpu.vector_store %arg14[%swap3A_303, %swap3A_304], %mul3A_301 {strides = array<i32>} : memref<128x64xf32, #tpu.memory_space<vmem>>, vector<16xf32>,
    %add3A_306 = arith.constant 16 : i32
    %add3A_307 = vector.broadcast %add3A_306 : i32 to vector<16xi32>
    %add3A_308 = arith.addi %iota3A, %add3A_307 : vector<16xi32>
    %gather3A_309 = tpu.vector_load_idx %arg11[%add3A_308, %and3A_29] : memref<128x16xf32, #tpu.memory_space<vmem>>[vector<16xi32>, vector<16xi32>], vector<16xf32>,
    %mul3A_310 = arith.mulf %gather3A_309, %gather3A_309 : vector<16xf32>
    %swap3A_311 = arith.constant 122 : i32
    %swap3A_312 = arith.index_cast %swap3A_311 : i32 to index
    %swap3A_313 = arith.constant 16 : index
    %swap3A_314 = tpu.vector_load %arg14[%swap3A_312, %swap3A_313] {strides = array<i32>} : memref<128x64xf32, #tpu.memory_space<vmem>>, vector<16xf32>,
    tpu.vector_store %arg14[%swap3A_312, %swap3A_313], %mul3A_310 {strides = array<i32>} : memref<128x64xf32, #tpu.memory_space<vmem>>, vector<16xf32>,
    %add3A_315 = arith.constant 32 : i32
    %add3A_316 = vector.broadcast %add3A_315 : i32 to vector<16xi32>
    %add3A_317 = arith.addi %iota3A, %add3A_316 : vector<16xi32>
    %gather3A_318 = tpu.vector_load_idx %arg11[%add3A_317, %and3A_34] : memref<128x16xf32, #tpu.memory_space<vmem>>[vector<16xi32>, vector<16xi32>], vector<16xf32>,
    %mul3A_319 = arith.mulf %gather3A_318, %gather3A_318 : vector<16xf32>
    %swap3A_320 = arith.constant 122 : i32
    %swap3A_321 = arith.index_cast %swap3A_320 : i32 to index
    %swap3A_322 = arith.constant 32 : index
    %swap3A_323 = tpu.vector_load %arg14[%swap3A_321, %swap3A_322] {strides = array<i32>} : memref<128x64xf32, #tpu.memory_space<vmem>>, vector<16xf32>,
    tpu.vector_store %arg14[%swap3A_321, %swap3A_322], %mul3A_319 {strides = array<i32>} : memref<128x64xf32, #tpu.memory_space<vmem>>, vector<16xf32>,
    %add3A_324 = arith.constant 48 : i32
    %add3A_325 = vector.broadcast %add3A_324 : i32 to vector<16xi32>
    %add3A_326 = arith.addi %iota3A, %add3A_325 : vector<16xi32>
    %gather3A_327 = tpu.vector_load_idx %arg11[%add3A_326, %and3A_39] : memref<128x16xf32, #tpu.memory_space<vmem>>[vector<16xi32>, vector<16xi32>], vector<16xf32>,
    %mul3A_328 = arith.mulf %gather3A_327, %gather3A_327 : vector<16xf32>
    %swap3A_329 = arith.constant 122 : i32
    %swap3A_330 = arith.index_cast %swap3A_329 : i32 to index
    %swap3A_331 = arith.constant 48 : index
    %swap3A_332 = tpu.vector_load %arg14[%swap3A_330, %swap3A_331] {strides = array<i32>} : memref<128x64xf32, #tpu.memory_space<vmem>>, vector<16xf32>,
    tpu.vector_store %arg14[%swap3A_330, %swap3A_331], %mul3A_328 {strides = array<i32>} : memref<128x64xf32, #tpu.memory_space<vmem>>, vector<16xf32>,
    %add3A_333 = arith.constant 64 : i32
    %add3A_334 = vector.broadcast %add3A_333 : i32 to vector<16xi32>
    %add3A_335 = arith.addi %iota3A, %add3A_334 : vector<16xi32>
    %gather3A_336 = tpu.vector_load_idx %arg11[%add3A_335, %and3A_24] : memref<128x16xf32, #tpu.memory_space<vmem>>[vector<16xi32>, vector<16xi32>], vector<16xf32>,
    %mul3A_337 = arith.mulf %gather3A_336, %gather3A_336 : vector<16xf32>
    %swap3A_338 = arith.constant 123 : i32
    %swap3A_339 = arith.index_cast %swap3A_338 : i32 to index
    %swap3A_340 = arith.constant 0 : index
    %swap3A_341 = tpu.vector_load %arg14[%swap3A_339, %swap3A_340] {strides = array<i32>} : memref<128x64xf32, #tpu.memory_space<vmem>>, vector<16xf32>,
    tpu.vector_store %arg14[%swap3A_339, %swap3A_340], %mul3A_337 {strides = array<i32>} : memref<128x64xf32, #tpu.memory_space<vmem>>, vector<16xf32>,
    %add3A_342 = arith.constant 80 : i32
    %add3A_343 = vector.broadcast %add3A_342 : i32 to vector<16xi32>
    %add3A_344 = arith.addi %iota3A, %add3A_343 : vector<16xi32>
    %gather3A_345 = tpu.vector_load_idx %arg11[%add3A_344, %and3A_29] : memref<128x16xf32, #tpu.memory_space<vmem>>[vector<16xi32>, vector<16xi32>], vector<16xf32>,
    %mul3A_346 = arith.mulf %gather3A_345, %gather3A_345 : vector<16xf32>
    %swap3A_347 = arith.constant 123 : i32
    %swap3A_348 = arith.index_cast %swap3A_347 : i32 to index
    %swap3A_349 = arith.constant 16 : index
    %swap3A_350 = tpu.vector_load %arg14[%swap3A_348, %swap3A_349] {strides = array<i32>} : memref<128x64xf32, #tpu.memory_space<vmem>>, vector<16xf32>,
    tpu.vector_store %arg14[%swap3A_348, %swap3A_349], %mul3A_346 {strides = array<i32>} : memref<128x64xf32, #tpu.memory_space<vmem>>, vector<16xf32>,
    %add3A_351 = arith.constant 96 : i32
    %add3A_352 = vector.broadcast %add3A_351 : i32 to vector<16xi32>
    %add3A_353 = arith.addi %iota3A, %add3A_352 : vector<16xi32>
    %gather3A_354 = tpu.vector_load_idx %arg11[%add3A_353, %and3A_34] : memref<128x16xf32, #tpu.memory_space<vmem>>[vector<16xi32>, vector<16xi32>], vector<16xf32>,
    %mul3A_355 = arith.mulf %gather3A_354, %gather3A_354 : vector<16xf32>
    %swap3A_356 = arith.constant 123 : i32
    %swap3A_357 = arith.index_cast %swap3A_356 : i32 to index
    %swap3A_358 = arith.constant 32 : index
    %swap3A_359 = tpu.vector_load %arg14[%swap3A_357, %swap3A_358] {strides = array<i32>} : memref<128x64xf32, #tpu.memory_space<vmem>>, vector<16xf32>,
    tpu.vector_store %arg14[%swap3A_357, %swap3A_358], %mul3A_355 {strides = array<i32>} : memref<128x64xf32, #tpu.memory_space<vmem>>, vector<16xf32>,
    %add3A_360 = arith.constant 112 : i32
    %add3A_361 = vector.broadcast %add3A_360 : i32 to vector<16xi32>
    %add3A_362 = arith.addi %iota3A, %add3A_361 : vector<16xi32>
    %gather3A_363 = tpu.vector_load_idx %arg11[%add3A_362, %and3A_39] : memref<128x16xf32, #tpu.memory_space<vmem>>[vector<16xi32>, vector<16xi32>], vector<16xf32>,
    %mul3A_364 = arith.mulf %gather3A_363, %gather3A_363 : vector<16xf32>
    %swap3A_365 = arith.constant 123 : i32
    %swap3A_366 = arith.index_cast %swap3A_365 : i32 to index
    %swap3A_367 = arith.constant 48 : index
    %swap3A_368 = tpu.vector_load %arg14[%swap3A_366, %swap3A_367] {strides = array<i32>} : memref<128x64xf32, #tpu.memory_space<vmem>>, vector<16xf32>,
    tpu.vector_store %arg14[%swap3A_366, %swap3A_367], %mul3A_364 {strides = array<i32>} : memref<128x64xf32, #tpu.memory_space<vmem>>, vector<16xf32>,
    %dma_wait3A_369 = arith.constant 0 : i32
    %dma_wait3A_370 = arith.constant 0 : i32
    %dma_wait3A_371 = tpu.memref_slice %arg2[%dma_wait3A_369, %dma_wait3A_370] : memref<4194304x16xf32, #tpu.memory_space<hbm>> -> memref<128x16xf32, #tpu.memory_space<hbm>>
    %dma_wait3A_372 = arith.constant 0 : i32
    %dma_wait3A_373 = arith.constant 0 : i32
    %dma_wait3A_374 = tpu.memref_slice %arg2[%dma_wait3A_372, %dma_wait3A_373] : memref<4194304x16xf32, #tpu.memory_space<hbm>> -> memref<128x16xf32, #tpu.memory_space<hbm>>
    tpu.wait_dma2 semaphore(%arg17 : memref<!tpu.dma_semaphore, #tpu.memory_space<semaphore_mem>>) src(%dma_wait3A_374 : memref<128x16xf32, #tpu.memory_space<hbm>>) dst(%arg12 : memref<128x16xf32, #tpu.memory_space<vmem>>)
    %add3A_375 = arith.constant 0 : i32
    %add3A_376 = vector.broadcast %add3A_375 : i32 to vector<16xi32>
    %add3A_377 = arith.addi %iota3A, %add3A_376 : vector<16xi32>
    %gather3A_378 = tpu.vector_load_idx %arg12[%add3A_377, %and3A_24] : memref<128x16xf32, #tpu.memory_space<vmem>>[vector<16xi32>, vector<16xi32>], vector<16xf32>,
    %mul3A_379 = arith.mulf %gather3A_378, %gather3A_378 : vector<16xf32>
    %swap3A_380 = arith.constant 124 : i32
    %swap3A_381 = arith.index_cast %swap3A_380 : i32 to index
    %swap3A_382 = arith.constant 0 : index
    %swap3A_383 = tpu.vector_load %arg14[%swap3A_381, %swap3A_382] {strides = array<i32>} : memref<128x64xf32, #tpu.memory_space<vmem>>, vector<16xf32>,
    tpu.vector_store %arg14[%swap3A_381, %swap3A_382], %mul3A_379 {strides = array<i32>} : memref<128x64xf32, #tpu.memory_space<vmem>>, vector<16xf32>,
    %add3A_384 = arith.constant 16 : i32
    %add3A_385 = vector.broadcast %add3A_384 : i32 to vector<16xi32>
    %add3A_386 = arith.addi %iota3A, %add3A_385 : vector<16xi32>
    %gather3A_387 = tpu.vector_load_idx %arg12[%add3A_386, %and3A_29] : memref<128x16xf32, #tpu.memory_space<vmem>>[vector<16xi32>, vector<16xi32>], vector<16xf32>,
    %mul3A_388 = arith.mulf %gather3A_387, %gather3A_387 : vector<16xf32>
    %swap3A_389 = arith.constant 124 : i32
    %swap3A_390 = arith.index_cast %swap3A_389 : i32 to index
    %swap3A_391 = arith.constant 16 : index
    %swap3A_392 = tpu.vector_load %arg14[%swap3A_390, %swap3A_391] {strides = array<i32>} : memref<128x64xf32, #tpu.memory_space<vmem>>, vector<16xf32>,
    tpu.vector_store %arg14[%swap3A_390, %swap3A_391], %mul3A_388 {strides = array<i32>} : memref<128x64xf32, #tpu.memory_space<vmem>>, vector<16xf32>,
    %add3A_393 = arith.constant 32 : i32
    %add3A_394 = vector.broadcast %add3A_393 : i32 to vector<16xi32>
    %add3A_395 = arith.addi %iota3A, %add3A_394 : vector<16xi32>
    %gather3A_396 = tpu.vector_load_idx %arg12[%add3A_395, %and3A_34] : memref<128x16xf32, #tpu.memory_space<vmem>>[vector<16xi32>, vector<16xi32>], vector<16xf32>,
    %mul3A_397 = arith.mulf %gather3A_396, %gather3A_396 : vector<16xf32>
    %swap3A_398 = arith.constant 124 : i32
    %swap3A_399 = arith.index_cast %swap3A_398 : i32 to index
    %swap3A_400 = arith.constant 32 : index
    %swap3A_401 = tpu.vector_load %arg14[%swap3A_399, %swap3A_400] {strides = array<i32>} : memref<128x64xf32, #tpu.memory_space<vmem>>, vector<16xf32>,
    tpu.vector_store %arg14[%swap3A_399, %swap3A_400], %mul3A_397 {strides = array<i32>} : memref<128x64xf32, #tpu.memory_space<vmem>>, vector<16xf32>,
    %add3A_402 = arith.constant 48 : i32
    %add3A_403 = vector.broadcast %add3A_402 : i32 to vector<16xi32>
    %add3A_404 = arith.addi %iota3A, %add3A_403 : vector<16xi32>
    %gather3A_405 = tpu.vector_load_idx %arg12[%add3A_404, %and3A_39] : memref<128x16xf32, #tpu.memory_space<vmem>>[vector<16xi32>, vector<16xi32>], vector<16xf32>,
    %mul3A_406 = arith.mulf %gather3A_405, %gather3A_405 : vector<16xf32>
    %swap3A_407 = arith.constant 124 : i32
    %swap3A_408 = arith.index_cast %swap3A_407 : i32 to index
    %swap3A_409 = arith.constant 48 : index
    %swap3A_410 = tpu.vector_load %arg14[%swap3A_408, %swap3A_409] {strides = array<i32>} : memref<128x64xf32, #tpu.memory_space<vmem>>, vector<16xf32>,
    tpu.vector_store %arg14[%swap3A_408, %swap3A_409], %mul3A_406 {strides = array<i32>} : memref<128x64xf32, #tpu.memory_space<vmem>>, vector<16xf32>,
    %add3A_411 = arith.constant 64 : i32
    %add3A_412 = vector.broadcast %add3A_411 : i32 to vector<16xi32>
    %add3A_413 = arith.addi %iota3A, %add3A_412 : vector<16xi32>
    %gather3A_414 = tpu.vector_load_idx %arg12[%add3A_413, %and3A_24] : memref<128x16xf32, #tpu.memory_space<vmem>>[vector<16xi32>, vector<16xi32>], vector<16xf32>,
    %mul3A_415 = arith.mulf %gather3A_414, %gather3A_414 : vector<16xf32>
    %swap3A_416 = arith.constant 125 : i32
    %swap3A_417 = arith.index_cast %swap3A_416 : i32 to index
    %swap3A_418 = arith.constant 0 : index
    %swap3A_419 = tpu.vector_load %arg14[%swap3A_417, %swap3A_418] {strides = array<i32>} : memref<128x64xf32, #tpu.memory_space<vmem>>, vector<16xf32>,
    tpu.vector_store %arg14[%swap3A_417, %swap3A_418], %mul3A_415 {strides = array<i32>} : memref<128x64xf32, #tpu.memory_space<vmem>>, vector<16xf32>,
    %add3A_420 = arith.constant 80 : i32
    %add3A_421 = vector.broadcast %add3A_420 : i32 to vector<16xi32>
    %add3A_422 = arith.addi %iota3A, %add3A_421 : vector<16xi32>
    %gather3A_423 = tpu.vector_load_idx %arg12[%add3A_422, %and3A_29] : memref<128x16xf32, #tpu.memory_space<vmem>>[vector<16xi32>, vector<16xi32>], vector<16xf32>,
    %mul3A_424 = arith.mulf %gather3A_423, %gather3A_423 : vector<16xf32>
    %swap3A_425 = arith.constant 125 : i32
    %swap3A_426 = arith.index_cast %swap3A_425 : i32 to index
    %swap3A_427 = arith.constant 16 : index
    %swap3A_428 = tpu.vector_load %arg14[%swap3A_426, %swap3A_427] {strides = array<i32>} : memref<128x64xf32, #tpu.memory_space<vmem>>, vector<16xf32>,
    tpu.vector_store %arg14[%swap3A_426, %swap3A_427], %mul3A_424 {strides = array<i32>} : memref<128x64xf32, #tpu.memory_space<vmem>>, vector<16xf32>,
    %add3A_429 = arith.constant 96 : i32
    %add3A_430 = vector.broadcast %add3A_429 : i32 to vector<16xi32>
    %add3A_431 = arith.addi %iota3A, %add3A_430 : vector<16xi32>
    %gather3A_432 = tpu.vector_load_idx %arg12[%add3A_431, %and3A_34] : memref<128x16xf32, #tpu.memory_space<vmem>>[vector<16xi32>, vector<16xi32>], vector<16xf32>,
    %mul3A_433 = arith.mulf %gather3A_432, %gather3A_432 : vector<16xf32>
    %swap3A_434 = arith.constant 125 : i32
    %swap3A_435 = arith.index_cast %swap3A_434 : i32 to index
    %swap3A_436 = arith.constant 32 : index
    %swap3A_437 = tpu.vector_load %arg14[%swap3A_435, %swap3A_436] {strides = array<i32>} : memref<128x64xf32, #tpu.memory_space<vmem>>, vector<16xf32>,
    tpu.vector_store %arg14[%swap3A_435, %swap3A_436], %mul3A_433 {strides = array<i32>} : memref<128x64xf32, #tpu.memory_space<vmem>>, vector<16xf32>,
    %add3A_438 = arith.constant 112 : i32
    %add3A_439 = vector.broadcast %add3A_438 : i32 to vector<16xi32>
    %add3A_440 = arith.addi %iota3A, %add3A_439 : vector<16xi32>
    %gather3A_441 = tpu.vector_load_idx %arg12[%add3A_440, %and3A_39] : memref<128x16xf32, #tpu.memory_space<vmem>>[vector<16xi32>, vector<16xi32>], vector<16xf32>,
    %mul3A_442 = arith.mulf %gather3A_441, %gather3A_441 : vector<16xf32>
    %swap3A_443 = arith.constant 125 : i32
    %swap3A_444 = arith.index_cast %swap3A_443 : i32 to index
    %swap3A_445 = arith.constant 48 : index
    %swap3A_446 = tpu.vector_load %arg14[%swap3A_444, %swap3A_445] {strides = array<i32>} : memref<128x64xf32, #tpu.memory_space<vmem>>, vector<16xf32>,
    tpu.vector_store %arg14[%swap3A_444, %swap3A_445], %mul3A_442 {strides = array<i32>} : memref<128x64xf32, #tpu.memory_space<vmem>>, vector<16xf32>,
    %dma_wait3A_447 = arith.constant 0 : i32
    %dma_wait3A_448 = arith.constant 0 : i32
    %dma_wait3A_449 = tpu.memref_slice %arg2[%dma_wait3A_447, %dma_wait3A_448] : memref<4194304x16xf32, #tpu.memory_space<hbm>> -> memref<128x16xf32, #tpu.memory_space<hbm>>
    %dma_wait3A_450 = arith.constant 0 : i32
    %dma_wait3A_451 = arith.constant 0 : i32
    %dma_wait3A_452 = tpu.memref_slice %arg2[%dma_wait3A_450, %dma_wait3A_451] : memref<4194304x16xf32, #tpu.memory_space<hbm>> -> memref<128x16xf32, #tpu.memory_space<hbm>>
    tpu.wait_dma2 semaphore(%arg18 : memref<!tpu.dma_semaphore, #tpu.memory_space<semaphore_mem>>) src(%dma_wait3A_452 : memref<128x16xf32, #tpu.memory_space<hbm>>) dst(%arg13 : memref<128x16xf32, #tpu.memory_space<vmem>>)
    %add3A_453 = arith.constant 0 : i32
    %add3A_454 = vector.broadcast %add3A_453 : i32 to vector<16xi32>
    %add3A_455 = arith.addi %iota3A, %add3A_454 : vector<16xi32>
    %gather3A_456 = tpu.vector_load_idx %arg13[%add3A_455, %and3A_24] : memref<128x16xf32, #tpu.memory_space<vmem>>[vector<16xi32>, vector<16xi32>], vector<16xf32>,
    %mul3A_457 = arith.mulf %gather3A_456, %gather3A_456 : vector<16xf32>
    %swap3A_458 = arith.constant 126 : i32
    %swap3A_459 = arith.index_cast %swap3A_458 : i32 to index
    %swap3A_460 = arith.constant 0 : index
    %swap3A_461 = tpu.vector_load %arg14[%swap3A_459, %swap3A_460] {strides = array<i32>} : memref<128x64xf32, #tpu.memory_space<vmem>>, vector<16xf32>,
    tpu.vector_store %arg14[%swap3A_459, %swap3A_460], %mul3A_457 {strides = array<i32>} : memref<128x64xf32, #tpu.memory_space<vmem>>, vector<16xf32>,
    %add3A_462 = arith.constant 16 : i32
    %add3A_463 = vector.broadcast %add3A_462 : i32 to vector<16xi32>
    %add3A_464 = arith.addi %iota3A, %add3A_463 : vector<16xi32>
    %gather3A_465 = tpu.vector_load_idx %arg13[%add3A_464, %and3A_29] : memref<128x16xf32, #tpu.memory_space<vmem>>[vector<16xi32>, vector<16xi32>], vector<16xf32>,
    %mul3A_466 = arith.mulf %gather3A_465, %gather3A_465 : vector<16xf32>
    %swap3A_467 = arith.constant 126 : i32
    %swap3A_468 = arith.index_cast %swap3A_467 : i32 to index
    %swap3A_469 = arith.constant 16 : index
    %swap3A_470 = tpu.vector_load %arg14[%swap3A_468, %swap3A_469] {strides = array<i32>} : memref<128x64xf32, #tpu.memory_space<vmem>>, vector<16xf32>,
    tpu.vector_store %arg14[%swap3A_468, %swap3A_469], %mul3A_466 {strides = array<i32>} : memref<128x64xf32, #tpu.memory_space<vmem>>, vector<16xf32>,
    %add3A_471 = arith.constant 32 : i32
    %add3A_472 = vector.broadcast %add3A_471 : i32 to vector<16xi32>
    %add3A_473 = arith.addi %iota3A, %add3A_472 : vector<16xi32>
    %gather3A_474 = tpu.vector_load_idx %arg13[%add3A_473, %and3A_34] : memref<128x16xf32, #tpu.memory_space<vmem>>[vector<16xi32>, vector<16xi32>], vector<16xf32>,
    %mul3A_475 = arith.mulf %gather3A_474, %gather3A_474 : vector<16xf32>
    %swap3A_476 = arith.constant 126 : i32
    %swap3A_477 = arith.index_cast %swap3A_476 : i32 to index
    %swap3A_478 = arith.constant 32 : index
    %swap3A_479 = tpu.vector_load %arg14[%swap3A_477, %swap3A_478] {strides = array<i32>} : memref<128x64xf32, #tpu.memory_space<vmem>>, vector<16xf32>,
    tpu.vector_store %arg14[%swap3A_477, %swap3A_478], %mul3A_475 {strides = array<i32>} : memref<128x64xf32, #tpu.memory_space<vmem>>, vector<16xf32>,
    %add3A_480 = arith.constant 48 : i32
    %add3A_481 = vector.broadcast %add3A_480 : i32 to vector<16xi32>
    %add3A_482 = arith.addi %iota3A, %add3A_481 : vector<16xi32>
    %gather3A_483 = tpu.vector_load_idx %arg13[%add3A_482, %and3A_39] : memref<128x16xf32, #tpu.memory_space<vmem>>[vector<16xi32>, vector<16xi32>], vector<16xf32>,
    %mul3A_484 = arith.mulf %gather3A_483, %gather3A_483 : vector<16xf32>
    %swap3A_485 = arith.constant 126 : i32
    %swap3A_486 = arith.index_cast %swap3A_485 : i32 to index
    %swap3A_487 = arith.constant 48 : index
    %swap3A_488 = tpu.vector_load %arg14[%swap3A_486, %swap3A_487] {strides = array<i32>} : memref<128x64xf32, #tpu.memory_space<vmem>>, vector<16xf32>,
    tpu.vector_store %arg14[%swap3A_486, %swap3A_487], %mul3A_484 {strides = array<i32>} : memref<128x64xf32, #tpu.memory_space<vmem>>, vector<16xf32>,
    %add3A_489 = arith.constant 64 : i32
    %add3A_490 = vector.broadcast %add3A_489 : i32 to vector<16xi32>
    %add3A_491 = arith.addi %iota3A, %add3A_490 : vector<16xi32>
    %gather3A_492 = tpu.vector_load_idx %arg13[%add3A_491, %and3A_24] : memref<128x16xf32, #tpu.memory_space<vmem>>[vector<16xi32>, vector<16xi32>], vector<16xf32>,
    %mul3A_493 = arith.mulf %gather3A_492, %gather3A_492 : vector<16xf32>
    %swap3A_494 = arith.constant 127 : i32
    %swap3A_495 = arith.index_cast %swap3A_494 : i32 to index
    %swap3A_496 = arith.constant 0 : index
    %swap3A_497 = tpu.vector_load %arg14[%swap3A_495, %swap3A_496] {strides = array<i32>} : memref<128x64xf32, #tpu.memory_space<vmem>>, vector<16xf32>,
    tpu.vector_store %arg14[%swap3A_495, %swap3A_496], %mul3A_493 {strides = array<i32>} : memref<128x64xf32, #tpu.memory_space<vmem>>, vector<16xf32>,
    %add3A_498 = arith.constant 80 : i32
    %add3A_499 = vector.broadcast %add3A_498 : i32 to vector<16xi32>
    %add3A_500 = arith.addi %iota3A, %add3A_499 : vector<16xi32>
    %gather3A_501 = tpu.vector_load_idx %arg13[%add3A_500, %and3A_29] : memref<128x16xf32, #tpu.memory_space<vmem>>[vector<16xi32>, vector<16xi32>], vector<16xf32>,
    %mul3A_502 = arith.mulf %gather3A_501, %gather3A_501 : vector<16xf32>
    %swap3A_503 = arith.constant 127 : i32
    %swap3A_504 = arith.index_cast %swap3A_503 : i32 to index
    %swap3A_505 = arith.constant 16 : index
    %swap3A_506 = tpu.vector_load %arg14[%swap3A_504, %swap3A_505] {strides = array<i32>} : memref<128x64xf32, #tpu.memory_space<vmem>>, vector<16xf32>,
    tpu.vector_store %arg14[%swap3A_504, %swap3A_505], %mul3A_502 {strides = array<i32>} : memref<128x64xf32, #tpu.memory_space<vmem>>, vector<16xf32>,
    %add3A_507 = arith.constant 96 : i32
    %add3A_508 = vector.broadcast %add3A_507 : i32 to vector<16xi32>
    %add3A_509 = arith.addi %iota3A, %add3A_508 : vector<16xi32>
    %gather3A_510 = tpu.vector_load_idx %arg13[%add3A_509, %and3A_34] : memref<128x16xf32, #tpu.memory_space<vmem>>[vector<16xi32>, vector<16xi32>], vector<16xf32>,
    %mul3A_511 = arith.mulf %gather3A_510, %gather3A_510 : vector<16xf32>
    %swap3A_512 = arith.constant 127 : i32
    %swap3A_513 = arith.index_cast %swap3A_512 : i32 to index
    %swap3A_514 = arith.constant 32 : index
    %swap3A_515 = tpu.vector_load %arg14[%swap3A_513, %swap3A_514] {strides = array<i32>} : memref<128x64xf32, #tpu.memory_space<vmem>>, vector<16xf32>,
    tpu.vector_store %arg14[%swap3A_513, %swap3A_514], %mul3A_511 {strides = array<i32>} : memref<128x64xf32, #tpu.memory_space<vmem>>, vector<16xf32>,
    %add3A_516 = arith.constant 112 : i32
    %add3A_517 = vector.broadcast %add3A_516 : i32 to vector<16xi32>
    %add3A_518 = arith.addi %iota3A, %add3A_517 : vector<16xi32>
    %gather3A_519 = tpu.vector_load_idx %arg13[%add3A_518, %and3A_39] : memref<128x16xf32, #tpu.memory_space<vmem>>[vector<16xi32>, vector<16xi32>], vector<16xf32>,
    %mul3A_520 = arith.mulf %gather3A_519, %gather3A_519 : vector<16xf32>
    %swap3A_521 = arith.constant 127 : i32
    %swap3A_522 = arith.index_cast %swap3A_521 : i32 to index
    %swap3A_523 = arith.constant 48 : index
    %swap3A_524 = tpu.vector_load %arg14[%swap3A_522, %swap3A_523] {strides = array<i32>} : memref<128x64xf32, #tpu.memory_space<vmem>>, vector<16xf32>,
    tpu.vector_store %arg14[%swap3A_522, %swap3A_523], %mul3A_520 {strides = array<i32>} : memref<128x64xf32, #tpu.memory_space<vmem>>, vector<16xf32>,
    "tpu.region"() ({
      %run_scoped3A = tpu.sem_alloc : memref<!tpu.dma_semaphore, #tpu.memory_space<semaphore_mem>>
      %dma_start3A_525 = arith.constant 0 : i32
      %dma_start3A_526 = tpu.memref_slice %arg4[%mul3A_2, %dma_start3A_525] : memref<4096x64xf32, #tpu.memory_space<hbm>> -> memref<128x64xf32, #tpu.memory_space<hbm>>
      %dma_start3A_527 = arith.constant 0 : i32
      %dma_start3A_528 = tpu.memref_slice %arg4[%mul3A_2, %dma_start3A_527] : memref<4096x64xf32, #tpu.memory_space<hbm>> -> memref<128x64xf32, #tpu.memory_space<hbm>>
      tpu.enqueue_dma source(%arg14 : memref<128x64xf32, #tpu.memory_space<vmem>>) target(%dma_start3A_528 : memref<128x64xf32, #tpu.memory_space<hbm>>) target_semaphore(%run_scoped3A : memref<!tpu.dma_semaphore, #tpu.memory_space<semaphore_mem>>)
      %dma_wait3A_529 = arith.constant 0 : i32
      %dma_wait3A_530 = tpu.memref_slice %arg4[%mul3A_2, %dma_wait3A_529] : memref<4096x64xf32, #tpu.memory_space<hbm>> -> memref<128x64xf32, #tpu.memory_space<hbm>>
      %dma_wait3A_531 = arith.constant 0 : i32
      %dma_wait3A_532 = tpu.memref_slice %arg4[%mul3A_2, %dma_wait3A_531] : memref<4096x64xf32, #tpu.memory_space<hbm>> -> memref<128x64xf32, #tpu.memory_space<hbm>>
      tpu.wait_dma2 semaphore(%run_scoped3A : memref<!tpu.dma_semaphore, #tpu.memory_space<semaphore_mem>>) src(%arg14 : memref<128x64xf32, #tpu.memory_space<vmem>>) dst(%dma_wait3A_532 : memref<128x64xf32, #tpu.memory_space<hbm>>)
      tpu.yield
    }) : () -> ()
    return
  }
}

</mosaic_0001>

<sc_bundles>
// kernel: kernel.3.cloned.1.call-start
scs
__scs_entry_jumppad:
0x0: {  	(pc) =	sbr.rel $0x88, $3  }
0x1: {  	(tag) =	ssettag $0x0;
	lr =	simm.s32 $0x1  }
0x2: {  	[smem:$0x3F9F] =	sst lr;
	_ =	strace $0xD0000000  }
0x3: {  	_ = 	snop  }
0x4: {  	_ = 	snop  }
0x5: {  	_ = 	snop  }
0x6: {  	_ = 	snop  }
0x7: {  	_ = 	snop  }
__scs_overlays_trampoline_lowered:
0x8: {  	[smem:$0x3FAE] =	sst s0  }
0x9: {  	[smem:$0x3FAF] =	sst s1  }
0xa: {  	[smem:$0x3FB0] =	sst s2  }
0xb: {  	[smem:$0x3FB1] =	sst s3  }
0xc: {  	[smem:$0x3FB2] =	sst s4  }
0xd: {  	[smem:$0x3FB3] =	sst s5  }
0xe: {  	[smem:$0x3FB4] =	sst s6  }
0xf: {  	[smem:$0x3FB5] =	sst s7  }
0x10: {  	[smem:$0x3FB6] =	sst s8  }
0x11: {  	[smem:$0x3FB7] =	sst s9;
	s0 =	simm.s32 @!p0 $0x0  }
0x12: {  	s1 =	sld [smem:$0x3F9D];
	s0 =	simm.s32 @p0 $0x1  }
0x13: {  	[smem:$0x3FB8] =	sst s0;
	s0 =	simm.s32 @!p1 $0x0  }
0x14: {  	s2 =	sld [smem:$0x3F9C];
	s0 =	simm.s32 @p1 $0x1  }
0x15: {  	[smem:$0x3FB9] =	sst s0;
	s0 =	simm.s32 @!p2 $0x0  }
0x16: {  	s3 =	sld [smem:$0x3FDB];
	s0 =	simm.s32 @p2 $0x1  }
0x17: {  	s4 =	simm.s32 $0x1BF5;
	[smem:$0x3FBB] =	sst s0  }
0x18: {  	s0 =	sld [smem:$0x3F9E];
	_ =	swait.ge [sflag:s4], $0x0  }
0x19: {  	s7 =	sld [smem:$0x3F9F]  }
0x1a: {  	s8 =	sadd.s32 $0xFFFFE003, lr  }
0x1b: {  	s9 =	sadd.s32 $0xFFFFFEF7, lr;
	s5 =	simm.s32 $0xFFFFFFFF;
	p2 =	slt.u32 s8, $0xFFFFF086  }
0x1c: {  	p1 =	slt.u32 s9, $0xF7A;
	s5 =	simm.s32 @!p2 $0x0  }
0x1d: {  	s5 =	simm.s32 @p1 $0x1;
	p0 =	seq.s32 s7, s2  }
0x1e: {  	s7 =	smul.u32 @!p0 $0xF7A, s2;
	p2 =	seq.s32 @!p0 s5, $0x0  }
0x1f: {  	s9 =	smul.u32 $0xF7A, s1;
	s8 =	simm.s32 @!p0 $0x1BF5;
	p2 =	por !p2, p0  }
0x20: {  	[sflag:s8] =	ssyncset.s32 @!p0 $0xFFFFF086;
	s6 =	sadd.s32 @!p0 s3, s7;
	s7 =	simm.s32 @!p0 $0x108  }
0x21: {  	s3 =	sadd.s32 s3, s9;
	s6 =	sadd.s32 @!p0 $0x88, s6;
	s7 =	simm.s32 @p2 $0x1082  }
0x22: {  	[simem:s7], [sflag:s8] =	dma.local @!p0 [hbm:s6], $0xF7A  }
0x23: {  	s9 =	sor.u32 $0xD0000000, s2;
	s6 =	simm.s32 $0x108;
	_ =	swait.ge @!p0 [sflag:s8], $0x0  }
0x24: {  	s3 =	sadd.s32 $0x88, s3;
	s6 =	simm.s32 @!p1 $0x1082;
	[sflag:s4] =	ssyncset.s32 $0xFFFFF086  }
0x25: {  	[simem:s6], [sflag:s4] =	dma.local [hbm:s3], $0xF7A  }
0x26: {  	[smem:$0x3F9F] =	sst s1;
	(tag) =	ssettag s2;
	_ =	strace s9  }
0x27: {  	s1 =	sld [smem:$0x3FAF]  }
0x28: {  	s2 =	sld [smem:$0x3FB0]  }
0x29: {  	s4 =	sld [smem:$0x3FB2]  }
0x2a: {  	p0 =	seq.s32 s5, $0x0;
	s5 =	sld [smem:$0x3FB3]  }
0x2b: {  	s6 =	sld [smem:$0x3FB4]  }
0x2c: {  	s7 =	sld [smem:$0x3FB5]  }
0x2d: {  	s3 =	simm.s32 $0x108;
	s8 =	sld [smem:$0x3FB6]  }
0x2e: {  	s3 =	simm.s32 @!p0 $0x1082;
	s9 =	sld [smem:$0x3FB7]  }
0x2f: {  	lr =	sadd.s32 s0, s3;
	s0 =	sld [smem:$0x3FAE]  }
0x30: {  	s3 =	sld [smem:$0x3FB1]  }
0x31: {  	[smem:$0x3FBA] =	sst s10  }
0x32: {  	s10 =	sld [smem:$0x3FB8];
	_ =	sdelay $0x3  }
0x33: {  	p0 =	seq.s32 s10, $0x1;
	s10 =	sld [smem:$0x3FBA];
	_ =	sdelay $0x3  }
0x34: {  	[smem:$0x3FBA] =	sst s10  }
0x35: {  	s10 =	sld [smem:$0x3FB9];
	_ =	sdelay $0x3  }
0x36: {  	p1 =	seq.s32 s10, $0x1;
	s10 =	sld [smem:$0x3FBA];
	_ =	sdelay $0x3  }
0x37: {  	[smem:$0x3FBA] =	sst s10  }
0x38: {  	s10 =	sld [smem:$0x3FBB]  }
0x39: {  	_ = 	snop;
	(pc) =	sbr.ind lr, $3  }
0x3a: {  	_ = 	snop  }
0x3b: {  	_ = 	snop  }
0x3c: {  	p2 =	seq.s32 s10, $0x1;
	s10 =	sld [smem:$0x3FBA]  }
0x3d: {  	_ =	shalt  }
0x3e: {  	_ =	shalt  }
0x3f: {  	_ =	shalt  }
0x40: {  	_ =	shalt  }
0x41: {  	_ =	shalt  }
0x42: {  	_ =	shalt  }
0x43: {  	_ =	shalt  }
0x44: {  	_ =	shalt  }
0x45: {  	_ =	shalt  }
0x46: {  	_ =	shalt  }
0x47: {  	_ =	shalt  }
0x48: {  	_ =	shalt  }
0x49: {  	_ =	shalt  }
0x4a: {  	_ =	shalt  }
0x4b: {  	_ =	shalt  }
0x4c: {  	_ =	shalt  }
0x4d: {  	_ =	shalt  }
0x4e: {  	_ =	shalt  }
0x4f: {  	_ =	shalt  }
0x50: {  	_ =	shalt  }
0x51: {  	_ =	shalt  }
0x52: {  	_ =	shalt  }
0x53: {  	_ =	shalt  }
0x54: {  	_ =	shalt  }
0x55: {  	_ =	shalt  }
0x56: {  	_ =	shalt  }
0x57: {  	_ =	shalt  }
0x58: {  	_ =	shalt  }
0x59: {  	_ =	shalt  }
0x5a: {  	_ =	shalt  }
0x5b: {  	_ =	shalt  }
0x5c: {  	_ =	shalt  }
0x5d: {  	_ =	shalt  }
0x5e: {  	_ =	shalt  }
0x5f: {  	_ =	shalt  }
0x60: {  	_ =	shalt  }
0x61: {  	_ =	shalt  }
0x62: {  	_ =	shalt  }
0x63: {  	_ =	shalt  }
0x64: {  	_ =	shalt  }
0x65: {  	_ =	shalt  }
0x66: {  	_ =	shalt  }
0x67: {  	_ =	shalt  }
0x68: {  	_ =	shalt  }
0x69: {  	_ =	shalt  }
0x6a: {  	_ =	shalt  }
0x6b: {  	_ =	shalt  }
0x6c: {  	_ =	shalt  }
0x6d: {  	_ =	shalt  }
0x6e: {  	_ =	shalt  }
0x6f: {  	_ =	shalt  }
0x70: {  	_ =	shalt  }
0x71: {  	_ =	shalt  }
0x72: {  	_ =	shalt  }
0x73: {  	_ =	shalt  }
0x74: {  	_ =	shalt  }
0x75: {  	_ =	shalt  }
0x76: {  	_ =	shalt  }
0x77: {  	_ =	shalt  }
0x78: {  	_ =	shalt  }
0x79: {  	_ =	shalt  }
0x7a: {  	_ =	shalt  }
0x7b: {  	_ =	shalt  }
0x7c: {  	_ =	shalt  }
0x7d: {  	_ =	shalt  }
0x7e: {  	_ =	shalt  }
0x7f: {  	_ =	shalt  }
0x80: {  	_ =	shalt  }
0x81: {  	_ =	shalt  }
0x82: {  	_ =	shalt  }
0x83: {  	_ =	shalt  }
0x84: {  	_ =	shalt  }
0x85: {  	_ =	shalt  }
0x86: {  	_ =	shalt  }
0x87: {  	_ =	shalt  }
.Lfunc_end0:
.L_simem_size_0:
called_computation.1_lowered:
.L_overlay_start_0:
0x88: {  	s2 =	sld [smem:$0x3FD9]  }
0x89: {  	s3 =	sld [smem:$0x3FFE];
	_ =	sdelay $0x1  }
0x8a: {  	s1 =	srdreg.scid  }
0x8b: {  	s0 =	sand.u32 $0x1, s1  }
0x8c: {  	s17 =	sshll.u32 s0, $0xA;
	s2 =	sadd.s32 s3, s2  }
0x8d: {  	s2 =	sadd.s32 s2, s17  }
0x8e: {  	[smem:$0x3FC6] =	sst s2  }
0x8f: {  	_ = 	snop  }
0x90: {  	s2 =	sld [smem:$0x3FC8]  }
0x91: {  	s18 =	sld [smem:$0x3FD0];
	(tm) =	ssettm $0x1  }
0x92: {  	s4 =	sld [smem:$0x3FFB];
	_ =	sdelay $0x3  }
0x93: {  	_ =	strace s4  }
0x94: {  	s4 =	sld [smem:$0x3FFC];
	_ =	sdelay $0x3  }
0x95: {  	_ =	strace s4  }
0x96: {  	s4 =	sld [smem:$0x3FFD];
	_ =	sdelay $0x3  }
0x97: {  	_ =	strace s4  }
0x98: {  	_ =	strace $0x8FFFFFFF  }
0x99: {  	s19 =	sld [smem:$0x3FDB];
	_ =	sdelay $0x1  }
0x9a: {  	s5 =	simm.s32 $_scs_section_size  }
0x9b: {  	s6 =	simm.s32 $_size__tile_overlayer_lowered;
	s7 =	simm.s32 $_tile_overlayer_lowered  }
0x9c: {  	s22 =	simm.s32 $0x1BFF;
	s21 =	sshll.u32 s7, $0x1;
	s4 =	sadd.s32 s5, s19  }
0x9d: {  	s8 =	simm.s32 $0x0;
	s20 =	sshll.u32 s6, $0x1;
	s6 =	sadd.s32 s21, s4  }
0x9e: {  	[timem:s8], [sflag:s22] =	dma.local [hbm:s6], s20  }
0x9f: {  	_ =	swait.ge [sflag:s22], s20  }
0xa0: {  	s5 =	ssub.s32 $0x0, s20;
	[sflag:s22] =	ssyncset.done $0x0  }
0xa1: {  	[sflag:s22] =	ssyncadd.s32 s5;
	_ =	sdelay $0x1  }
0xa2: {  	s23 =	simm.s32 $0x1B8B  }
0xa3: {  	_ =	swait.ge [sflag:s23], $0x1  }
0xa4: {  	[sflag:s23] =	ssyncset.done $0x0  }
0xa5: {  	s25 =	simm.s32 $0x1B8E;
	s24 =	sld [smem:$0x3FFE];
	[sflag:s23] =	ssyncadd.s32 $0xFFFFFFFF  }
0xa6: {  	s26 =	simm.s32 $execute0_lowered;
	[smem:$0x3FD2] =	sst s25  }
0xa7: {  	s6 =	sshll.u32 s26, $0x1;
	_ =	strace $0x80000049;
	[dreg:$0x1] =	wrdreg $0xFFFFFFFF  }
0xa8: {  	s28 =	simm.s32 $_size_execute0_lowered;
	s4 =	sadd.s32 s4, s6;
	[dreg:$0x0] =	wrdreg $0x0  }
0xa9: {  	s6 =	sshll.u32 s28, $0x1;
	[dreg:$0x2] =	wrdreg s4  }
0xaa: {  	[dreg:$0x3] =	wrdreg s6  }
0xab: {  	[dreg:$0x4] =	wrdreg $0xC0  }
0xac: {  	_ =	task [dreg:s8], $0x5FFFF  }
0xad: {  	[dreg:$0x1] =	wrdreg $0xFFFFFFFF  }
0xae: {  	[dreg:$0x0] =	wrdreg $0x60  }
0xaf: {  	[dreg:$0x2] =	wrdreg s24  }
0xb0: {  	[dreg:$0x3] =	wrdreg s2  }
0xb1: {  	[dreg:$0x4] =	wrdreg s18  }
0xb2: {  	[dreg:$0x5] =	wrdreg $0x9  }
0xb3: {  	_ =	task.clear_ibuf [dreg:s8], $0x6FFFF;
	_ =	strace $0x90000049  }
0xb4: {  	s29 =	simm.s32 $0x9;
	_ =	strace $0x8000004B  }
0xb5: {  	_ =	swait.ge [sflag:s29], $0x1  }
0xb6: {  	[sflag:s29] =	ssyncadd.s32 $0xFFFFFFFF  }
0xb7: {  	_ =	strace $0x9000004B  }
0xb8: {  	_ =	sfence  }
0xb9: {  	s30 =	sld [smem:$0x0];
	_ =	sdelay $0x2  }
0xba: {  	s31 =	sshll.u32 s1, $0xD;
	s1 =	sshrl.u32 s1, $0x2  }
0xbb: {  	s3 =	sand.u32 $0x4000, s31;
	s1 =	sadd.s32 s1, s30  }
0xbc: {  	s0 =	sor.u32 s3, s0;
	s1 =	sshll.u32 s1, $0x11  }
0xbd: {  	s0 =	sor.u32 s1, s0  }
0xbe: {  	s0 =	sadd.s32 $0x8F2B, s0  }
0xbf: {  	[sflag:s0] =	ssyncadd.remote.s32 $0x1  }
0xc0: {  	_ =	sfence.sel $0xFFFF  }
0xc1: {  	[dreg:$0x0] =	wrdreg $0xFFFFFFFF;
	(pc) =	sbr.abs _section_cstart, $3  }
0xc2: {  	[dreg:$0x1] =	wrdreg $0xFFFFFFFF  }
0xc3: {  	_ =	task.clear_ibuf [dreg:s8], $0x2FFFF;
	_ =	strace $0x9FFFFFFF  }
0xc4: {  	(tm) =	ssettm $0x7FFFFFFF  }
0xc5: {  	_ =	shalt  }
tec
execute0_lowered:
.L_overlay_start_1:
0x0: {  	(tag) =	ssettag $0x1  }
0x1: {  	s4 =	rddreg [dreg:$0x0]  }
0x2: {  	s1 =	rddreg [dreg:$0x1]  }
0x3: {  	s5 =	rddreg [dreg:$0x2]  }
0x4: {  	s0 =	rddreg [dreg:$0x3]  }
0x5: {  	s3 =	simm.s32 $0x0;
	s6 =	srdreg.scid;
	s2 =	stileid.u32  }
0x6: {  	s18 =	simm.s32 $0x1;
	s19 =	simm.s32 $0x2;
	s20 =	simm.s32 $0x3  }
0x7: {  	s21 =	simm.s32 $0x4;
	s22 =	simm.s32 $0x2240;
	s23 =	simm.s32 $0x0  }
0x8: {  	[smem:$0x7FF] =	sst s3;
	s6 =	sand.u32 $0x1, s6;
	s7 =	sshll.u32 s2, $0x1  }
0x9: {  	s4 =	sadd.s32 $0x800, s4;
	s31 =	sshll.u32 s2, $0x12;
	_ =	strace $0x8000004A  }
0xa: {  	s8 =	ssub.s32 $0x2, s6;
	s7 =	sor.u32 s6, s7;
	s17 =	sshll.u32 s6, $0x11  }
0xb: {  	v3 =	vlaneseq.u32;
	s9 =	sshrl.u32 s8, $0x1;
	s10 =	sshll.u32 s7, $0x11;
	s7 =	sshll.u32 s7, $0xA  }
0xc: {  	v3 =	vmul.u32 $0x10, v3;
	s8 =	ssub.s32 s8, s9;
	s30 =	sor.u32 $0x400, s10;
	s11 =	sor.u32 $0x800, s10  }
0xd: {  	s12 =	sor.u32 $0xC00, s10;
	s13 =	sor.u32 $0x1000, s10;
	s14 =	sor.u32 $0x1400, s10  }
0xe: {  	v9 =	vor.u32 $0x100, v3;
	v10 =	vor.u32 $0x200, v3;
	v11 =	vor.u32 $0x300, v3;
	s15 =	sor.u32 $0x1800, s10;
	s16 =	sor.u32 $0x1C00, s10;
	s5 =	sadd.s32 s5, s7  }
0xf: {  	v12 =	vor.u32 $0x400, v3;
	v13 =	vor.u32 $0x500, v3;
	v0 =	vmov s10;
	s7 =	sor.u32 s17, s31;
	s9 =	simm.s32 $0x80;
	s10 =	simm.s32 $0x40  }
0x10: {  	v14 =	vor.u32 $0x600, v3;
	v15 =	vor.u32 $0x700, v3;
	s17 =	simm.s32 $0x1A40;
	s6 =	smax.u32 s8, $0x1;
	s8 =	simm.s32 $0x5;
	v1 =	vmov s30  }
0x11: {  	v2 =	vmov s11;
	s11 =	simm.s32 $0x240;
	v4 =	vmov s12;
	v5 =	vmov s13;
	s12 =	simm.s32 $0xC0;
	s13 =	simm.s32 $0xA40  }
0x12: {  	v6 =	vmov s14;
	s14 =	simm.s32 $0x140;
	v7 =	vmov s15;
	v8 =	vmov s16;
	s15 =	simm.s32 $0x1240;
	s16 =	simm.s32 $0x1C0  }
.LBB2_1:
0x13: {  	[tilespmem:s3], [sflag:$0x5] =	stream.linear.gather [hbm4b:s1+s3], $0x40, $0x38;
	[tilespmem:$0x4240] =	vst v63  }
0x14: {  	_ =	swait.ge [sflag:s8], $0x40  }
0x15: {  	[sflag:s8] =	ssyncset.done $0x0  }
0x16: {  	[sflag:s8] =	ssyncadd.s32 $0xFFFFFFC0  }
0x17: {  	v16 =	vld [tilespmem:$0x0]  }
0x18: {  	v17 =	vld [tilespmem:$0x10]  }
0x19: {  	v18 =	vld [tilespmem:$0x20]  }
0x1a: {  	v19 =	vld [tilespmem:$0x30];
	_ =	sdelay $0x1  }
0x1b: {  	v24 =	vshra.s32 v16, $0x4  }
0x1c: {  	v25 =	vshra.s32 v17, $0x4;
	v20 =	vadd.s32 v0, v24  }
0x1d: {  	v26 =	vshra.s32 v18, $0x4;
	[tilespmem:$0x40] =	vst v20;
	v20 =	vadd.s32 v0, v25  }
0x1e: {  	v27 =	vshra.s32 v19, $0x4;
	[tilespmem:$0x50] =	vst v20;
	v20 =	vadd.s32 v0, v26  }
0x1f: {  	[tilespmem:$0x60] =	vst v20;
	v20 =	vadd.s32 v0, v27  }
0x20: {  	[tilespmem:$0x70] =	vst v20;
	v20 =	vadd.s32 v1, v24  }
0x21: {  	[tilespmem:$0x80] =	vst v20;
	v20 =	vadd.s32 v1, v25  }
0x22: {  	[tilespmem:$0x90] =	vst v20;
	v20 =	vadd.s32 v1, v26  }
0x23: {  	[tilespmem:$0xA0] =	vst v20;
	v20 =	vadd.s32 v1, v27  }
0x24: {  	[tilespmem:$0xB0] =	vst v20  }
0x25: {  	v20 =	vadd.s32 v2, v24;
	[tilespmem:s11], [sflag:$0x1] =	stream.indirect.gather [hbm4b:s4+s9], $0x10, s10, s9, $0xb8;
	[tilespmem:$0x4240] =	vst v63  }
0x26: {  	[tilespmem:$0xC0] =	vst v20;
	v20 =	vadd.s32 v2, v25  }
0x27: {  	[tilespmem:$0xD0] =	vst v20;
	v20 =	vadd.s32 v2, v26  }
0x28: {  	[tilespmem:$0xE0] =	vst v20;
	v20 =	vadd.s32 v2, v27  }
0x29: {  	[tilespmem:$0xF0] =	vst v20;
	v20 =	vadd.s32 v4, v24  }
0x2a: {  	[tilespmem:$0x100] =	vst v20;
	v20 =	vadd.s32 v4, v25  }
0x2b: {  	[tilespmem:$0x110] =	vst v20;
	v20 =	vadd.s32 v4, v26  }
0x2c: {  	[tilespmem:$0x120] =	vst v20;
	v20 =	vadd.s32 v4, v27  }
0x2d: {  	[tilespmem:$0x130] =	vst v20  }
0x2e: {  	v20 =	vadd.s32 v5, v24;
	[tilespmem:s13], [sflag:$0x2] =	stream.indirect.gather [hbm4b:s4+s9], $0x10, s12, s9, $0xb8;
	[tilespmem:$0x4240] =	vst v63  }
0x2f: {  	[tilespmem:$0x140] =	vst v20;
	v20 =	vadd.s32 v5, v25  }
0x30: {  	[tilespmem:$0x150] =	vst v20;
	v20 =	vadd.s32 v5, v26  }
0x31: {  	[tilespmem:$0x160] =	vst v20;
	v20 =	vadd.s32 v5, v27  }
0x32: {  	[tilespmem:$0x170] =	vst v20;
	v20 =	vadd.s32 v6, v24  }
0x33: {  	[tilespmem:$0x180] =	vst v20;
	v20 =	vadd.s32 v6, v25  }
0x34: {  	[tilespmem:$0x190] =	vst v20;
	v20 =	vadd.s32 v6, v26  }
0x35: {  	[tilespmem:$0x1A0] =	vst v20;
	v20 =	vadd.s32 v6, v27  }
0x36: {  	[tilespmem:$0x1B0] =	vst v20  }
0x37: {  	v20 =	vadd.s32 v7, v24;
	[tilespmem:s15], [sflag:$0x3] =	stream.indirect.gather [hbm4b:s4+s9], $0x10, s14, s9, $0xb8;
	[tilespmem:$0x4240] =	vst v63  }
0x38: {  	[tilespmem:$0x1C0] =	vst v20;
	v20 =	vadd.s32 v7, v25  }
0x39: {  	[tilespmem:$0x1D0] =	vst v20;
	v20 =	vadd.s32 v7, v26  }
0x3a: {  	[tilespmem:$0x1E0] =	vst v20;
	v20 =	vadd.s32 v7, v27  }
0x3b: {  	[tilespmem:$0x1F0] =	vst v20;
	v20 =	vadd.s32 v8, v24  }
0x3c: {  	v16 =	vand.u32 $0xF, v16;
	v17 =	vand.u32 $0xF, v17;
	[tilespmem:$0x200] =	vst v20;
	v20 =	vadd.s32 v8, v25  }
0x3d: {  	v28 =	vand.u32 $0xF, v18;
	v29 =	vand.u32 $0xF, v19;
	[tilespmem:$0x210] =	vst v20;
	v20 =	vadd.s32 v8, v26  }
0x3e: {  	v21 =	vor.u32 v3, v16;
	v22 =	vor.u32 v9, v17;
	[tilespmem:$0x220] =	vst v20;
	v20 =	vadd.s32 v8, v27  }
0x3f: {  	s24 =	simm.s32 $0x2340;
	s25 =	simm.s32 $0x0;
	v23 =	vor.u32 v10, v28;
	v19 =	vor.u32 v12, v16;
	v18 =	vor.u32 v13, v17;
	[tilespmem:$0x230] =	vst v20  }
0x40: {  	v17 =	vor.u32 v14, v28;
	v16 =	vor.u32 v15, v29;
	v20 =	vor.u32 v11, v29;
	[tilespmem:s17], [sflag:$0x4] =	stream.indirect.gather [hbm4b:s4+s9], $0x10, s16, s9, $0xb8;
	[tilespmem:$0x4240] =	vst v63  }
.LBB2_2:
0x41: {  	_ =	swait.ge [sflag:s18], $0x800  }
0x42: {  	[sflag:s18] =	ssyncset.done $0x0  }
0x43: {  	[sflag:s18] =	ssyncadd.s32 $0xFFFFF800  }
0x44: {  	v28 =	vld.idx.msk [tilespmem:v21+s11+$0x0], $0xffff;
	_ =	sdelay $0x4  }
0x45: {  	v28 =	vmul.f32 v28, v28;
	_ =	sdelay $0x1  }
0x46: {  	[tilespmem:s24+$0xFFFFFF00] =	vst v28  }
0x47: {  	v28 =	vld.idx.msk [tilespmem:v22+s11+$0x0], $0xffff;
	_ =	sdelay $0x4  }
0x48: {  	v28 =	vmul.f32 v28, v28;
	_ =	sdelay $0x1  }
0x49: {  	[tilespmem:s24+$0xFFFFFF10] =	vst v28  }
0x4a: {  	v28 =	vld.idx.msk [tilespmem:v23+s11+$0x0], $0xffff;
	_ =	sdelay $0x4  }
0x4b: {  	v28 =	vmul.f32 v28, v28;
	_ =	sdelay $0x1  }
0x4c: {  	[tilespmem:s24+$0xFFFFFF20] =	vst v28  }
0x4d: {  	v28 =	vld.idx.msk [tilespmem:v20+s11+$0x0], $0xffff;
	_ =	sdelay $0x4  }
0x4e: {  	v28 =	vmul.f32 v28, v28;
	_ =	sdelay $0x1  }
0x4f: {  	[tilespmem:s24+$0xFFFFFF30] =	vst v28  }
0x50: {  	v28 =	vld.idx.msk [tilespmem:v19+s11+$0x0], $0xffff;
	_ =	sdelay $0x4  }
0x51: {  	v28 =	vmul.f32 v28, v28;
	_ =	sdelay $0x1  }
0x52: {  	[tilespmem:s24+$0xFFFFFF40] =	vst v28  }
0x53: {  	v28 =	vld.idx.msk [tilespmem:v18+s11+$0x0], $0xffff;
	_ =	sdelay $0x4  }
0x54: {  	v28 =	vmul.f32 v28, v28;
	_ =	sdelay $0x1  }
0x55: {  	[tilespmem:s24+$0xFFFFFF50] =	vst v28  }
0x56: {  	v28 =	vld.idx.msk [tilespmem:v17+s11+$0x0], $0xffff;
	_ =	sdelay $0x4  }
0x57: {  	v28 =	vmul.f32 v28, v28;
	_ =	sdelay $0x1  }
0x58: {  	[tilespmem:s24+$0xFFFFFF60] =	vst v28  }
0x59: {  	v28 =	vld.idx.msk [tilespmem:v16+s11+$0x0], $0xffff;
	_ =	sdelay $0x4  }
0x5a: {  	s26 =	sadd.s32 s25, s7;
	v28 =	vmul.f32 v28, v28  }
0x5b: {  	s28 =	sadd.s32 $0x2000, s26  }
0x5c: {  	[tilespmem:s24+$0xFFFFFF70] =	vst v28;
	v28 =	vadd.s32 s28, v24  }
0x5d: {  	[tilespmem:$0x40] =	vst v28;
	v28 =	vadd.s32 s28, v25  }
0x5e: {  	[tilespmem:$0x50] =	vst v28;
	v28 =	vadd.s32 s28, v26  }
0x5f: {  	s29 =	sadd.s32 $0x2400, s26;
	[tilespmem:$0x60] =	vst v28;
	v28 =	vadd.s32 s28, v27  }
0x60: {  	[tilespmem:$0x70] =	vst v28;
	v28 =	vadd.s32 s29, v24  }
0x61: {  	[tilespmem:$0x80] =	vst v28;
	v28 =	vadd.s32 s29, v25  }
0x62: {  	[tilespmem:$0x90] =	vst v28;
	v28 =	vadd.s32 s29, v26  }
0x63: {  	[tilespmem:$0xA0] =	vst v28;
	v28 =	vadd.s32 s29, v27  }
0x64: {  	[tilespmem:$0xB0] =	vst v28  }
0x65: {  	[tilespmem:s11], [sflag:$0x1] =	stream.indirect.gather [hbm4b:s4+s9], $0x10, s10, s9, $0xb8;
	[tilespmem:$0x4240] =	vst v63  }
0x66: {  	_ =	swait.ge [sflag:s19], $0x800  }
0x67: {  	[sflag:s19] =	ssyncset.done $0x0  }
0x68: {  	[sflag:s19] =	ssyncadd.s32 $0xFFFFF800  }
0x69: {  	v28 =	vld.idx.msk [tilespmem:v21+s13+$0x0], $0xffff;
	_ =	sdelay $0x4  }
0x6a: {  	v28 =	vmul.f32 v28, v28;
	_ =	sdelay $0x1  }
0x6b: {  	[tilespmem:s24+$0xFFFFFF80] =	vst v28  }
0x6c: {  	v28 =	vld.idx.msk [tilespmem:v22+s13+$0x0], $0xffff;
	_ =	sdelay $0x4  }
0x6d: {  	v28 =	vmul.f32 v28, v28;
	_ =	sdelay $0x1  }
0x6e: {  	[tilespmem:s24+$0xFFFFFF90] =	vst v28  }
0x6f: {  	v28 =	vld.idx.msk [tilespmem:v23+s13+$0x0], $0xffff;
	_ =	sdelay $0x4  }
0x70: {  	v28 =	vmul.f32 v28, v28;
	_ =	sdelay $0x1  }
0x71: {  	[tilespmem:s24+$0xFFFFFFA0] =	vst v28  }
0x72: {  	v28 =	vld.idx.msk [tilespmem:v20+s13+$0x0], $0xffff;
	_ =	sdelay $0x4  }
0x73: {  	v28 =	vmul.f32 v28, v28;
	_ =	sdelay $0x1  }
0x74: {  	[tilespmem:s24+$0xFFFFFFB0] =	vst v28  }
0x75: {  	v28 =	vld.idx.msk [tilespmem:v19+s13+$0x0], $0xffff;
	_ =	sdelay $0x4  }
0x76: {  	v28 =	vmul.f32 v28, v28;
	_ =	sdelay $0x1  }
0x77: {  	[tilespmem:s24+$0xFFFFFFC0] =	vst v28  }
0x78: {  	v28 =	vld.idx.msk [tilespmem:v18+s13+$0x0], $0xffff;
	_ =	sdelay $0x4  }
0x79: {  	v28 =	vmul.f32 v28, v28;
	_ =	sdelay $0x1  }
0x7a: {  	[tilespmem:s24+$0xFFFFFFD0] =	vst v28  }
0x7b: {  	v28 =	vld.idx.msk [tilespmem:v17+s13+$0x0], $0xffff;
	_ =	sdelay $0x4  }
0x7c: {  	v28 =	vmul.f32 v28, v28;
	_ =	sdelay $0x1  }
0x7d: {  	[tilespmem:s24+$0xFFFFFFE0] =	vst v28  }
0x7e: {  	v28 =	vld.idx.msk [tilespmem:v16+s13+$0x0], $0xffff;
	_ =	sdelay $0x4  }
0x7f: {  	v28 =	vmul.f32 v28, v28  }
0x80: {  	s30 =	sadd.s32 $0x2800, s26  }
0x81: {  	[tilespmem:s24+$0xFFFFFFF0] =	vst v28;
	v28 =	vadd.s32 s30, v24  }
0x82: {  	[tilespmem:$0xC0] =	vst v28;
	v28 =	vadd.s32 s30, v25  }
0x83: {  	[tilespmem:$0xD0] =	vst v28;
	v28 =	vadd.s32 s30, v26  }
0x84: {  	s31 =	sadd.s32 $0x2C00, s26;
	[tilespmem:$0xE0] =	vst v28;
	v28 =	vadd.s32 s30, v27  }
0x85: {  	[tilespmem:$0xF0] =	vst v28;
	v28 =	vadd.s32 s31, v24  }
0x86: {  	[tilespmem:$0x100] =	vst v28;
	v28 =	vadd.s32 s31, v25  }
0x87: {  	[tilespmem:$0x110] =	vst v28;
	v28 =	vadd.s32 s31, v26  }
0x88: {  	[tilespmem:$0x120] =	vst v28;
	v28 =	vadd.s32 s31, v27  }
0x89: {  	[tilespmem:$0x130] =	vst v28  }
0x8a: {  	[tilespmem:s13], [sflag:$0x2] =	stream.indirect.gather [hbm4b:s4+s9], $0x10, s12, s9, $0xb8;
	[tilespmem:$0x4240] =	vst v63  }
0x8b: {  	_ =	swait.ge [sflag:s20], $0x800  }
0x8c: {  	[sflag:s20] =	ssyncset.done $0x0  }
0x8d: {  	[sflag:s20] =	ssyncadd.s32 $0xFFFFF800  }
0x8e: {  	v28 =	vld.idx.msk [tilespmem:v21+s15+$0x0], $0xffff;
	_ =	sdelay $0x4  }
0x8f: {  	v28 =	vmul.f32 v28, v28;
	_ =	sdelay $0x1  }
0x90: {  	[tilespmem:s24+$0x0] =	vst v28  }
0x91: {  	v28 =	vld.idx.msk [tilespmem:v22+s15+$0x0], $0xffff;
	_ =	sdelay $0x4  }
0x92: {  	v28 =	vmul.f32 v28, v28;
	_ =	sdelay $0x1  }
0x93: {  	[tilespmem:s24+$0x10] =	vst v28  }
0x94: {  	v28 =	vld.idx.msk [tilespmem:v23+s15+$0x0], $0xffff;
	_ =	sdelay $0x4  }
0x95: {  	v28 =	vmul.f32 v28, v28;
	_ =	sdelay $0x1  }
0x96: {  	[tilespmem:s24+$0x20] =	vst v28  }
0x97: {  	v28 =	vld.idx.msk [tilespmem:v20+s15+$0x0], $0xffff;
	_ =	sdelay $0x4  }
0x98: {  	v28 =	vmul.f32 v28, v28;
	_ =	sdelay $0x1  }
0x99: {  	[tilespmem:s24+$0x30] =	vst v28  }
0x9a: {  	v28 =	vld.idx.msk [tilespmem:v19+s15+$0x0], $0xffff;
	_ =	sdelay $0x4  }
0x9b: {  	v28 =	vmul.f32 v28, v28;
	_ =	sdelay $0x1  }
0x9c: {  	[tilespmem:s24+$0x40] =	vst v28  }
0x9d: {  	v28 =	vld.idx.msk [tilespmem:v18+s15+$0x0], $0xffff;
	_ =	sdelay $0x4  }
0x9e: {  	v28 =	vmul.f32 v28, v28;
	_ =	sdelay $0x1  }
0x9f: {  	[tilespmem:s24+$0x50] =	vst v28  }
0xa0: {  	v28 =	vld.idx.msk [tilespmem:v17+s15+$0x0], $0xffff;
	_ =	sdelay $0x4  }
0xa1: {  	v28 =	vmul.f32 v28, v28;
	_ =	sdelay $0x1  }
0xa2: {  	[tilespmem:s24+$0x60] =	vst v28  }
0xa3: {  	v28 =	vld.idx.msk [tilespmem:v16+s15+$0x0], $0xffff;
	_ =	sdelay $0x4  }
0xa4: {  	v28 =	vmul.f32 v28, v28  }
0xa5: {  	s29 =	sadd.s32 $0x3000, s26  }
0xa6: {  	[tilespmem:s24+$0x70] =	vst v28;
	v28 =	vadd.s32 s29, v24  }
0xa7: {  	[tilespmem:$0x140] =	vst v28;
	v28 =	vadd.s32 s29, v25  }
0xa8: {  	[tilespmem:$0x150] =	vst v28;
	v28 =	vadd.s32 s29, v26  }
0xa9: {  	s30 =	sadd.s32 $0x3400, s26;
	[tilespmem:$0x160] =	vst v28;
	v28 =	vadd.s32 s29, v27  }
0xaa: {  	[tilespmem:$0x170] =	vst v28;
	v28 =	vadd.s32 s30, v24  }
0xab: {  	[tilespmem:$0x180] =	vst v28;
	v28 =	vadd.s32 s30, v25  }
0xac: {  	[tilespmem:$0x190] =	vst v28;
	v28 =	vadd.s32 s30, v26  }
0xad: {  	[tilespmem:$0x1A0] =	vst v28;
	v28 =	vadd.s32 s30, v27  }
0xae: {  	[tilespmem:$0x1B0] =	vst v28  }
0xaf: {  	[tilespmem:s15], [sflag:$0x3] =	stream.indirect.gather [hbm4b:s4+s9], $0x10, s14, s9, $0xb8;
	[tilespmem:$0x4240] =	vst v63  }
0xb0: {  	_ =	swait.ge [sflag:s21], $0x800  }
0xb1: {  	[sflag:s21] =	ssyncset.done $0x0  }
0xb2: {  	[sflag:s21] =	ssyncadd.s32 $0xFFFFF800  }
0xb3: {  	v28 =	vld.idx.msk [tilespmem:v21+s17+$0x0], $0xffff;
	_ =	sdelay $0x4  }
0xb4: {  	v28 =	vmul.f32 v28, v28;
	_ =	sdelay $0x1  }
0xb5: {  	[tilespmem:s24+$0x80] =	vst v28  }
0xb6: {  	v28 =	vld.idx.msk [tilespmem:v22+s17+$0x0], $0xffff;
	_ =	sdelay $0x4  }
0xb7: {  	v28 =	vmul.f32 v28, v28;
	_ =	sdelay $0x1  }
0xb8: {  	[tilespmem:s24+$0x90] =	vst v28  }
0xb9: {  	v28 =	vld.idx.msk [tilespmem:v23+s17+$0x0], $0xffff;
	_ =	sdelay $0x4  }
0xba: {  	v28 =	vmul.f32 v28, v28;
	_ =	sdelay $0x1  }
0xbb: {  	[tilespmem:s24+$0xA0] =	vst v28  }
0xbc: {  	v28 =	vld.idx.msk [tilespmem:v20+s17+$0x0], $0xffff;
	_ =	sdelay $0x4  }
0xbd: {  	v28 =	vmul.f32 v28, v28;
	_ =	sdelay $0x1  }
0xbe: {  	[tilespmem:s24+$0xB0] =	vst v28  }
0xbf: {  	v28 =	vld.idx.msk [tilespmem:v19+s17+$0x0], $0xffff;
	_ =	sdelay $0x4  }
0xc0: {  	v28 =	vmul.f32 v28, v28;
	_ =	sdelay $0x1  }
0xc1: {  	[tilespmem:s24+$0xC0] =	vst v28  }
0xc2: {  	v28 =	vld.idx.msk [tilespmem:v18+s17+$0x0], $0xffff;
	_ =	sdelay $0x4  }
0xc3: {  	v28 =	vmul.f32 v28, v28;
	_ =	sdelay $0x1  }
0xc4: {  	[tilespmem:s24+$0xD0] =	vst v28  }
0xc5: {  	v28 =	vld.idx.msk [tilespmem:v17+s17+$0x0], $0xffff;
	_ =	sdelay $0x4  }
0xc6: {  	v28 =	vmul.f32 v28, v28;
	_ =	sdelay $0x1  }
0xc7: {  	[tilespmem:s24+$0xE0] =	vst v28  }
0xc8: {  	v28 =	vld.idx.msk [tilespmem:v16+s17+$0x0], $0xffff;
	_ =	sdelay $0x4  }
0xc9: {  	v28 =	vmul.f32 v28, v28  }
0xca: {  	s31 =	sadd.s32 $0x3800, s26  }
0xcb: {  	[tilespmem:s24+$0xF0] =	vst v28;
	v28 =	vadd.s32 s31, v24  }
0xcc: {  	[tilespmem:$0x1C0] =	vst v28;
	v28 =	vadd.s32 s31, v25  }
0xcd: {  	[tilespmem:$0x1D0] =	vst v28;
	v28 =	vadd.s32 s31, v26  }
0xce: {  	s26 =	sadd.s32 $0x3C00, s26;
	[tilespmem:$0x1E0] =	vst v28;
	v28 =	vadd.s32 s31, v27  }
0xcf: {  	p0 =	sne.s32 s25, $0x1C000;
	[tilespmem:$0x1F0] =	vst v28;
	v28 =	vadd.s32 s26, v24  }
.Ltmp0:
0xd0: {  	[tilespmem:$0x200] =	vst v28;
	v28 =	vadd.s32 s26, v25;
	(pc) =	sbr.rel @p0 .LBB2_2-.Ltmp0, $4  }
0xd1: {  	[tilespmem:$0x210] =	vst v28;
	v28 =	vadd.s32 s26, v26  }
0xd2: {  	[tilespmem:$0x220] =	vst v28;
	v28 =	vadd.s32 s26, v27  }
0xd3: {  	s25 =	sadd.s32 $0x2000, s25;
	s24 =	sadd.s32 $0x200, s24;
	[tilespmem:$0x230] =	vst v28  }
0xd4: {  	[tilespmem:s17], [sflag:$0x4] =	stream.indirect.gather [hbm4b:s4+s9], $0x10, s16, s9, $0xb8;
	[tilespmem:$0x4240] =	vst v63  }
0xd5: {  	_ = 	snop  }
0xd6: {  	_ =	swait.ge [sflag:s18], $0x800  }
0xd7: {  	[sflag:s18] =	ssyncset.done $0x0  }
0xd8: {  	[sflag:s18] =	ssyncadd.s32 $0xFFFFF800  }
0xd9: {  	v24 =	vld.idx.msk [tilespmem:v21+s11+$0x0], $0xffff;
	_ =	sdelay $0x4  }
0xda: {  	v24 =	vmul.f32 v24, v24;
	_ =	sdelay $0x1  }
0xdb: {  	[tilespmem:$0x4040] =	vst v24  }
0xdc: {  	v24 =	vld.idx.msk [tilespmem:v22+s11+$0x0], $0xffff;
	_ =	sdelay $0x4  }
0xdd: {  	v24 =	vmul.f32 v24, v24;
	_ =	sdelay $0x1  }
0xde: {  	[tilespmem:$0x4050] =	vst v24  }
0xdf: {  	v24 =	vld.idx.msk [tilespmem:v23+s11+$0x0], $0xffff;
	_ =	sdelay $0x4  }
0xe0: {  	v24 =	vmul.f32 v24, v24;
	_ =	sdelay $0x1  }
0xe1: {  	[tilespmem:$0x4060] =	vst v24  }
0xe2: {  	v24 =	vld.idx.msk [tilespmem:v20+s11+$0x0], $0xffff;
	_ =	sdelay $0x4  }
0xe3: {  	v24 =	vmul.f32 v24, v24;
	_ =	sdelay $0x1  }
0xe4: {  	[tilespmem:$0x4070] =	vst v24  }
0xe5: {  	v24 =	vld.idx.msk [tilespmem:v19+s11+$0x0], $0xffff;
	_ =	sdelay $0x4  }
0xe6: {  	v24 =	vmul.f32 v24, v24;
	_ =	sdelay $0x1  }
0xe7: {  	[tilespmem:$0x4080] =	vst v24  }
0xe8: {  	v24 =	vld.idx.msk [tilespmem:v18+s11+$0x0], $0xffff;
	_ =	sdelay $0x4  }
0xe9: {  	v24 =	vmul.f32 v24, v24;
	_ =	sdelay $0x1  }
0xea: {  	[tilespmem:$0x4090] =	vst v24  }
0xeb: {  	v24 =	vld.idx.msk [tilespmem:v17+s11+$0x0], $0xffff;
	_ =	sdelay $0x4  }
0xec: {  	v24 =	vmul.f32 v24, v24;
	_ =	sdelay $0x1  }
0xed: {  	[tilespmem:$0x40A0] =	vst v24  }
0xee: {  	v24 =	vld.idx.msk [tilespmem:v16+s11+$0x0], $0xffff;
	_ =	sdelay $0x4  }
0xef: {  	v24 =	vmul.f32 v24, v24;
	_ =	sdelay $0x1  }
0xf0: {  	[tilespmem:$0x40B0] =	vst v24  }
0xf1: {  	_ =	swait.ge [sflag:s19], $0x800  }
0xf2: {  	[sflag:s19] =	ssyncset.done $0x0  }
0xf3: {  	[sflag:s19] =	ssyncadd.s32 $0xFFFFF800  }
0xf4: {  	v58 =	vld.idx.msk [tilespmem:v21+s13+$0x0], $0xffff;
	_ =	sdelay $0x4  }
0xf5: {  	v24 =	vmul.f32 v58, v58;
	_ =	sdelay $0x1  }
0xf6: {  	[tilespmem:$0x40C0] =	vst v24  }
0xf7: {  	v24 =	vld.idx.msk [tilespmem:v22+s13+$0x0], $0xffff;
	_ =	sdelay $0x4  }
0xf8: {  	v24 =	vmul.f32 v24, v24;
	_ =	sdelay $0x1  }
0xf9: {  	[tilespmem:$0x40D0] =	vst v24  }
0xfa: {  	v24 =	vld.idx.msk [tilespmem:v23+s13+$0x0], $0xffff;
	_ =	sdelay $0x4  }
0xfb: {  	v24 =	vmul.f32 v24, v24;
	_ =	sdelay $0x1  }
0xfc: {  	[tilespmem:$0x40E0] =	vst v24  }
0xfd: {  	v24 =	vld.idx.msk [tilespmem:v20+s13+$0x0], $0xffff;
	_ =	sdelay $0x4  }
0xfe: {  	v24 =	vmul.f32 v24, v24;
	_ =	sdelay $0x1  }
0xff: {  	[tilespmem:$0x40F0] =	vst v24  }
0x100: {  	v24 =	vld.idx.msk [tilespmem:v19+s13+$0x0], $0xffff;
	_ =	sdelay $0x4  }
0x101: {  	v24 =	vmul.f32 v24, v24;
	_ =	sdelay $0x1  }
0x102: {  	[tilespmem:$0x4100] =	vst v24  }
0x103: {  	v24 =	vld.idx.msk [tilespmem:v18+s13+$0x0], $0xffff;
	_ =	sdelay $0x4  }
0x104: {  	v24 =	vmul.f32 v24, v24;
	_ =	sdelay $0x1  }
0x105: {  	[tilespmem:$0x4110] =	vst v24  }
0x106: {  	v24 =	vld.idx.msk [tilespmem:v17+s13+$0x0], $0xffff;
	_ =	sdelay $0x4  }
0x107: {  	v24 =	vmul.f32 v24, v24;
	_ =	sdelay $0x1  }
0x108: {  	[tilespmem:$0x4120] =	vst v24  }
0x109: {  	v24 =	vld.idx.msk [tilespmem:v16+s13+$0x0], $0xffff;
	_ =	sdelay $0x4  }
0x10a: {  	v24 =	vmul.f32 v24, v24;
	_ =	sdelay $0x1  }
0x10b: {  	[tilespmem:$0x4130] =	vst v24  }
0x10c: {  	_ =	swait.ge [sflag:s20], $0x800  }
0x10d: {  	[sflag:s20] =	ssyncset.done $0x0  }
0x10e: {  	[sflag:s20] =	ssyncadd.s32 $0xFFFFF800  }
0x10f: {  	v59 =	vld.idx.msk [tilespmem:v21+s15+$0x0], $0xffff;
	_ =	sdelay $0x4  }
0x110: {  	v24 =	vmul.f32 v59, v59;
	_ =	sdelay $0x1  }
0x111: {  	[tilespmem:$0x4140] =	vst v24  }
0x112: {  	v24 =	vld.idx.msk [tilespmem:v22+s15+$0x0], $0xffff;
	_ =	sdelay $0x4  }
0x113: {  	v24 =	vmul.f32 v24, v24;
	_ =	sdelay $0x1  }
0x114: {  	[tilespmem:$0x4150] =	vst v24  }
0x115: {  	v24 =	vld.idx.msk [tilespmem:v23+s15+$0x0], $0xffff;
	_ =	sdelay $0x4  }
0x116: {  	v24 =	vmul.f32 v24, v24;
	_ =	sdelay $0x1  }
0x117: {  	[tilespmem:$0x4160] =	vst v24  }
0x118: {  	v24 =	vld.idx.msk [tilespmem:v20+s15+$0x0], $0xffff;
	_ =	sdelay $0x4  }
0x119: {  	v24 =	vmul.f32 v24, v24;
	_ =	sdelay $0x1  }
0x11a: {  	[tilespmem:$0x4170] =	vst v24  }
0x11b: {  	v24 =	vld.idx.msk [tilespmem:v19+s15+$0x0], $0xffff;
	_ =	sdelay $0x4  }
0x11c: {  	v24 =	vmul.f32 v24, v24;
	_ =	sdelay $0x1  }
0x11d: {  	[tilespmem:$0x4180] =	vst v24  }
0x11e: {  	v24 =	vld.idx.msk [tilespmem:v18+s15+$0x0], $0xffff;
	_ =	sdelay $0x4  }
0x11f: {  	v24 =	vmul.f32 v24, v24;
	_ =	sdelay $0x1  }
0x120: {  	[tilespmem:$0x4190] =	vst v24  }
0x121: {  	v24 =	vld.idx.msk [tilespmem:v17+s15+$0x0], $0xffff;
	_ =	sdelay $0x4  }
0x122: {  	v24 =	vmul.f32 v24, v24;
	_ =	sdelay $0x1  }
0x123: {  	[tilespmem:$0x41A0] =	vst v24  }
0x124: {  	v24 =	vld.idx.msk [tilespmem:v16+s15+$0x0], $0xffff;
	_ =	sdelay $0x4  }
0x125: {  	v24 =	vmul.f32 v24, v24;
	_ =	sdelay $0x1  }
0x126: {  	[tilespmem:$0x41B0] =	vst v24  }
0x127: {  	_ =	swait.ge [sflag:s21], $0x800  }
0x128: {  	[sflag:s21] =	ssyncset.done $0x0  }
0x129: {  	[sflag:s21] =	ssyncadd.s32 $0xFFFFF800  }
0x12a: {  	v60 =	vld.idx.msk [tilespmem:v21+s17+$0x0], $0xffff;
	_ =	sdelay $0x4  }
0x12b: {  	v21 =	vmul.f32 v60, v60;
	_ =	sdelay $0x1  }
0x12c: {  	[tilespmem:$0x41C0] =	vst v21  }
0x12d: {  	v21 =	vld.idx.msk [tilespmem:v22+s17+$0x0], $0xffff;
	_ =	sdelay $0x4  }
0x12e: {  	v21 =	vmul.f32 v21, v21;
	_ =	sdelay $0x1  }
0x12f: {  	[tilespmem:$0x41D0] =	vst v21  }
0x130: {  	v21 =	vld.idx.msk [tilespmem:v23+s17+$0x0], $0xffff;
	_ =	sdelay $0x4  }
0x131: {  	v21 =	vmul.f32 v21, v21;
	_ =	sdelay $0x1  }
0x132: {  	[tilespmem:$0x41E0] =	vst v21  }
0x133: {  	v61 =	vld.idx.msk [tilespmem:v20+s17+$0x0], $0xffff;
	_ =	sdelay $0x4  }
0x134: {  	v20 =	vmul.f32 v61, v61;
	_ =	sdelay $0x1  }
0x135: {  	[tilespmem:$0x41F0] =	vst v20  }
0x136: {  	v62 =	vld.idx.msk [tilespmem:v19+s17+$0x0], $0xffff;
	_ =	sdelay $0x4  }
0x137: {  	v19 =	vmul.f32 v62, v62;
	_ =	sdelay $0x1  }
0x138: {  	[tilespmem:$0x4200] =	vst v19  }
0x139: {  	v63 =	vld.idx.msk [tilespmem:v18+s17+$0x0], $0xffff;
	_ =	sdelay $0x4  }
0x13a: {  	v18 =	vmul.f32 v63, v63;
	_ =	sdelay $0x1  }
0x13b: {  	[tilespmem:$0x4210] =	vst v18  }
0x13c: {  	v17 =	vld.idx.msk [tilespmem:v17+s17+$0x0], $0xffff;
	_ =	sdelay $0x4  }
0x13d: {  	v17 =	vmul.f32 v17, v17;
	_ =	sdelay $0x1  }
0x13e: {  	[tilespmem:$0x4220] =	vst v17  }
0x13f: {  	v16 =	vld.idx.msk [tilespmem:v16+s17+$0x0], $0xffff;
	_ =	sdelay $0x4  }
0x140: {  	s23 =	sadd.s32 $0x1, s23;
	v16 =	vmul.f32 v16, v16  }
0x141: {  	p0 =	sne.s32 s23, s6  }
.Ltmp1:
0x142: {  	[tilespmem:$0x4230] =	vst v16;
	(pc) =	sbr.rel @p0 .LBB2_1-.Ltmp1, $4  }
0x143: {  	[hbm4b:s5+s3] =	stream.linear.scatter [tilespmem:s22], [sflag:$0x5], $0x2000, $0x38;
	[tilespmem:$0x4240] =	vst v63  }
0x144: {  	_ =	swait.ge [sflag:s8], $0x2000  }
0x145: {  	[sflag:s8] =	ssyncset.done $0x0  }
0x146: {  	[sflag:s8] =	ssyncadd.s32 $0xFFFFE000  }
0x147: {  	_ =	sfence.sel $0x180000  }
0x148: {  	[bflag:$0x0] =	sbarrier.arrive $0xFFFF  }
0x149: {  	p0 =	sne.s32 s2, $0x0;
	_ =	strace $0x9000004A  }
0x14a: {  	s0 =	sadd.s32 @!p0 $0x100000, s0;
	[bflag:$0x2] =	sbarrier.arrive $0xFFFF  }
0x14b: {  	[sflag:s0] =	ssyncadd.tile.s32 @!p0 $0x1;
	_ =	shalt  }
.Lfunc_end2:
_tile_overlayer_lowered:
.L_overlay_start_2:
0x14c: {  	(tag) =	ssettag $0x2  }
0x14d: {  	s0 =	rddreg [dreg:$0x0];
	s2 =	stileid.u32  }
0x14e: {  	s1 =	rddreg [dreg:$0x1];
	p0 =	sne.s32 s2, $0x0  }
0x14f: {  	s3 =	rddreg [dreg:$0x2];
	[bflag:$0x3] =	sbarrier.arrive $0xFFFF;
	s2 =	simm.s32 @!p0 $0x1C05  }
0x150: {  	[timem:s3], [sflag:s2] =	dma.local @!p0 [hbm:s0], s1  }
0x151: {  	s0 =	simm.s32 @!p0 $0x5  }
0x152: {  	_ =	swait.ge @!p0 [sflag:s0], s1  }
0x153: {  	s1 =	ssub.s32 @!p0 $0x0, s1;
	[sflag:s0] =	ssyncset.done @!p0 $0x0  }
0x154: {  	[sflag:s0] =	ssyncadd.s32 @!p0 s1  }
0x155: {  	[bflag:$0x3] =	sbarrier.arrive $0xFFFF  }
0x156: {  	_ =	shalt  }

// kernel: sparse-core-data-format-call.cloned.1.call-start
scs
called_computation_lowered:
.L_overlay_start_0:
0x0: {  	s2 =	sld [smem:$0x3FD9]  }
0x1: {  	s3 =	sld [smem:$0x3FFE];
	_ =	sdelay $0x1  }
0x2: {  	s1 =	srdreg.scid  }
0x3: {  	s0 =	sand.u32 $0x1, s1  }
0x4: {  	s18 =	sshll.u32 s0, $0xA;
	s2 =	sadd.s32 s3, s2  }
0x5: {  	s2 =	sadd.s32 s2, s18  }
0x6: {  	[smem:$0x3FC6] =	sst s2  }
0x7: {  	_ = 	snop  }
0x8: {  	s2 =	sld [smem:$0x3FC9];
	(tm) =	ssettm $0x1  }
0x9: {  	s19 =	sld [smem:$0x3FFB];
	_ =	sdelay $0x3  }
0xa: {  	_ =	strace s19  }
0xb: {  	s3 =	sld [smem:$0x3FFC];
	_ =	sdelay $0x3  }
0xc: {  	_ =	strace s3  }
0xd: {  	s3 =	sld [smem:$0x3FFD];
	_ =	sdelay $0x3  }
0xe: {  	_ =	strace s3  }
0xf: {  	_ =	strace $0x8FFFFFFF  }
0x10: {  	s20 =	sld [smem:$0x3FDB];
	_ =	sdelay $0x1  }
0x11: {  	s4 =	simm.s32 $_scs_section_size  }
0x12: {  	s5 =	simm.s32 $_size__tile_overlayer_lowered;
	s6 =	simm.s32 $_tile_overlayer_lowered  }
0x13: {  	s23 =	simm.s32 $0x1BFF;
	s22 =	sshll.u32 s6, $0x1;
	s3 =	sadd.s32 s4, s20  }
0x14: {  	s7 =	simm.s32 $0x0;
	s21 =	sshll.u32 s5, $0x1;
	s5 =	sadd.s32 s22, s3  }
0x15: {  	[timem:s7], [sflag:s23] =	dma.local [hbm:s5], s21  }
0x16: {  	_ =	swait.ge [sflag:s23], s21  }
0x17: {  	s4 =	ssub.s32 $0x0, s21;
	[sflag:s23] =	ssyncset.done $0x0  }
0x18: {  	[sflag:s23] =	ssyncadd.s32 s4;
	_ =	sdelay $0x1  }
0x19: {  	s24 =	simm.s32 $0x1B8B  }
0x1a: {  	_ =	swait.ge [sflag:s24], $0x1  }
0x1b: {  	[sflag:s24] =	ssyncset.done $0x0  }
0x1c: {  	s26 =	simm.s32 $0x1B8E;
	s25 =	sld [smem:$0x3FFE];
	[sflag:s24] =	ssyncadd.s32 $0xFFFFFFFF  }
0x1d: {  	s27 =	simm.s32 $execute0_lowered;
	[smem:$0x3FD2] =	sst s26  }
0x1e: {  	s5 =	sshll.u32 s27, $0x1;
	_ =	strace $0x80000046;
	[dreg:$0x1] =	wrdreg $0xFFFFFFFF  }
0x1f: {  	s28 =	simm.s32 $_size_execute0_lowered;
	s3 =	sadd.s32 s3, s5;
	[dreg:$0x0] =	wrdreg $0x0  }
0x20: {  	s5 =	sshll.u32 s28, $0x1;
	[dreg:$0x2] =	wrdreg s3  }
0x21: {  	[dreg:$0x3] =	wrdreg s5  }
0x22: {  	[dreg:$0x4] =	wrdreg $0xC0  }
0x23: {  	_ =	task [dreg:s7], $0x5FFFF  }
0x24: {  	[dreg:$0x1] =	wrdreg $0xFFFFFFFF  }
0x25: {  	[dreg:$0x0] =	wrdreg $0x60  }
0x26: {  	[dreg:$0x2] =	wrdreg s2  }
0x27: {  	[dreg:$0x3] =	wrdreg s25  }
0x28: {  	[dreg:$0x4] =	wrdreg $0x9  }
0x29: {  	_ =	task.clear_ibuf [dreg:s7], $0x5FFFF;
	_ =	strace $0x90000046  }
0x2a: {  	s29 =	simm.s32 $0x9;
	_ =	strace $0x80000048  }
0x2b: {  	_ =	swait.ge [sflag:s29], $0x1  }
0x2c: {  	[sflag:s29] =	ssyncadd.s32 $0xFFFFFFFF  }
0x2d: {  	_ =	strace $0x90000048  }
0x2e: {  	_ =	sfence  }
0x2f: {  	s30 =	sld [smem:$0x0];
	_ =	sdelay $0x2  }
0x30: {  	s31 =	sshll.u32 s1, $0xD;
	s1 =	sshrl.u32 s1, $0x2  }
0x31: {  	s3 =	sand.u32 $0x4000, s31;
	s1 =	sadd.s32 s1, s30  }
0x32: {  	s0 =	sor.u32 s3, s0;
	s1 =	sshll.u32 s1, $0x11  }
0x33: {  	s0 =	sor.u32 s1, s0  }
0x34: {  	s0 =	sadd.s32 $0x8F2B, s0  }
0x35: {  	[sflag:s0] =	ssyncadd.remote.s32 $0x1  }
0x36: {  	_ =	sfence.sel $0xFFFF  }
0x37: {  	[dreg:$0x0] =	wrdreg $0xFFFFFFFF;
	(pc) =	sbr.abs _section_cstart, $3  }
0x38: {  	[dreg:$0x1] =	wrdreg $0xFFFFFFFF  }
0x39: {  	_ =	task.clear_ibuf [dreg:s7], $0x2FFFF;
	_ =	strace $0x9FFFFFFF  }
0x3a: {  	(tm) =	ssettm $0x7FFFFFFF  }
0x3b: {  	_ =	shalt  }
tec
execute0_lowered:
.L_overlay_start_1:
0x0: {  	(tag) =	ssettag $0x1  }
0x1: {  	s2 =	rddreg [dreg:$0x0]  }
0x2: {  	s1 =	rddreg [dreg:$0x1]  }
0x3: {  	s0 =	rddreg [dreg:$0x2];
	_ =	strace $0x80000047;
	s4 =	srdreg.scid  }
0x4: {  	s6 =	simm.s32 $0x2;
	s11 =	simm.s32 $0x0;
	p0 =	por $0x0, $0x0  }
.Ltmp0:
0x5: {  	s7 =	simm.s32 $0x4000;
	s12 =	simm.s32 $0x0;
	(pc) =	sbr.rel .LBB1_1-.Ltmp0, $4  }
0x6: {  	s9 =	simm.s32 $0x0;
	s3 =	sadd.s32 $0x800, s1;
	s5 =	sshll.u32 s4, $0x4  }
0x7: {  	s1 =	stileid.u32;
	s4 =	simm.s32 $0x1;
	s5 =	sand.u32 $0x10, s5  }
0x8: {  	s8 =	simm.s32 $0x0;
	[sflag:s4] =	ssyncpa.u1 $0x0;
	s5 =	sor.u32 s1, s5  }
0x9: {  	[sflag:s6] =	ssyncpa.u1 $0x0;
	s6 =	simm.s32 $0x800;
	s10 =	smov.u32 s5  }
.LBB1_7:
0xa: {  	s13 =	sadd.s32 $0x10, s9  }
0xb: {  	s11 =	sadd.s32 $0x20, s10;
	s15 =	smov.u32 s10;
	p2 =	sgt.s32 s13, $0x7F  }
0xc: {  	p1 =	slt.u32 s8, $0x2;
	s15 =	smov.u32 @p2 s11  }
0xd: {  	s8 =	sadd.s32 $0x1, s8;
	s13 =	simm.s32 @p2 $0x0;
	p2 =	sgt.s32 s15, $0x1FF  }
0xe: {  	s15 =	smov.u32 @p2 s5;
	p2 =	sne.s32 s8, $0x82  }
.Ltmp1:
0xf: {  	_ = 	snop;
	(pc) =	sbr.rel @!p2 .LBB1_8-.Ltmp1, $4  }
0x10: {  	s14 =	simm.s32 @!p1 $0x2  }
0x11: {  	s12 =	smov.u32 s10;
	_ =	swait.ge @!p1 [sflag:s14], $0x4000  }
0x12: {  	p0 =	por !p0, !p0;
	s11 =	smov.u32 s9;
	[sflag:s14] =	ssyncset.done @!p1 $0x0  }
0x13: {  	s9 =	smov.u32 s13;
	[sflag:s14] =	ssyncadd.s32 @!p1 $0xFFFFC000;
	s10 =	smov.u32 s15  }
.LBB1_1:
0x14: {  	p1 =	sgt.u32 s8, $0x7F  }
0x15: {  	s13 =	sxor.u32 @!p1 $0xFFFFFFFF, s8;
	s14 =	sshll.u32 @!p1 s10, $0xE  }
0x16: {  	s15 =	sshll.u32 @!p1 s9, $0x7;
	s13 =	sshll.u32 @!p1 s13, $0xE;
	s14 =	sadd.s32 @!p1 s2, s14  }
0x17: {  	s13 =	sand.u32 @!p1 $0x4000, s13;
	s14 =	sadd.s32 @!p1 s15, s14;
	s15 =	simm.s32 @!p1 $0x0  }
0x18: {  	[tilespmem:s13], [sflag:$0x1] =	stream.linear.gather @!p1 [hbm4b:s14+s15], $0x4000, $0x38;
	[tilespmem:$0x10000] =	vst v63  }
0x19: {  	p1 =	seq.s32 s8, $0x0  }
0x1a: {  	p2 =	seq.s32 @!p1 s8, $0x81  }
0x1b: {  	p1 =	por p1, p2  }
.Ltmp2:
0x1c: {  	_ = 	snop;
	(pc) =	sbr.rel @p1 .LBB1_7-.Ltmp2, $1  }
0x1d: {  	_ =	sdelay $0x3  }
0x1e: {  	s13 =	simm.s32 $0x1;
	_ =	swait.ge [sflag:s4], $0x4000;
	s16 =	sshll.u32 s8, $0xE  }
0x1f: {  	s13 =	simm.s32 @!p0 $0x0;
	[sflag:s4] =	ssyncset.done $0x0;
	s31 =	sand.u32 $0x4000, s16  }
0x20: {  	s16 =	simm.s32 $0x0;
	s14 =	sshll.u32 s13, $0xE;
	[sflag:s4] =	ssyncadd.s32 $0xFFFFC000  }
0x21: {  	s13 =	sor.u32 $0x8040, s14;
	s15 =	sor.u32 $0x40, s14;
	s14 =	sor.u32 $0x8000, s31  }
.LBB1_3:
0x22: {  	v0 =	vmov s15;
	_ =	sdelay $0x3  }
0x23: {  	s18 =	simm.s32 $0x0  }
0x24: {  	v6 =	vld.idx.msk [tilespmem:v0+s18+$0x30 ss:$0x1], $0xffff  }
0x25: {  	v7 =	vld.idx.msk [tilespmem:v0+s18+$0xFFFFFFC0 ss:$0x1], $0xffff  }
0x26: {  	v5 =	vld.idx.msk [tilespmem:v0+s18+$0xFFFFFFD0 ss:$0x1], $0xffff  }
0x27: {  	v4 =	vld.idx.msk [tilespmem:v0+s18+$0xFFFFFFE0 ss:$0x1], $0xffff  }
0x28: {  	v3 =	vld.idx.msk [tilespmem:v0+s18+$0xFFFFFFF0 ss:$0x1], $0xffff  }
0x29: {  	v1 =	vld.idx.msk [tilespmem:v0+s18+$0x0 ss:$0x1], $0xffff  }
0x2a: {  	v2 =	vld.idx.msk [tilespmem:v0+s18+$0x10 ss:$0x1], $0xffff;
	[tilespmem:s13+$0x30] =	vst v6  }
0x2b: {  	s17 =	simm.s32 $0x80;
	s19 =	simm.s32 $0x400;
	[tilespmem:s13+$0xFFFFFFC0] =	vst v7;
	v6 =	vld.idx.msk [tilespmem:v0+s18+$0x20 ss:$0x1], $0xffff;
	s18 =	smov.u32 s13  }
.LBB1_4:
0x2c: {  	p1 =	sne.s32 s19, $0xE00;
	v7 =	vld.idx.msk [tilespmem:v0+s17+$0x30 ss:$0x1], $0xffff;
	[tilespmem:s18+$0xFFFFFFD0] =	vst v5  }
0x2d: {  	v8 =	vld.idx.msk [tilespmem:v0+s17+$0xFFFFFFC0 ss:$0x1], $0xffff;
	[tilespmem:s18+$0xFFFFFFE0] =	vst v4  }
0x2e: {  	v5 =	vld.idx.msk [tilespmem:v0+s17+$0xFFFFFFD0 ss:$0x1], $0xffff;
	[tilespmem:s18+$0xFFFFFFF0] =	vst v3  }
.Ltmp3:
0x2f: {  	v4 =	vld.idx.msk [tilespmem:v0+s17+$0xFFFFFFE0 ss:$0x1], $0xffff;
	[tilespmem:s18+$0x0] =	vst v1;
	(pc) =	sbr.rel @p1 .LBB1_4-.Ltmp3, $4  }
0x30: {  	v3 =	vld.idx.msk [tilespmem:v0+s17+$0xFFFFFFF0 ss:$0x1], $0xffff;
	[tilespmem:s18+$0x10] =	vst v2  }
0x31: {  	v1 =	vld.idx.msk [tilespmem:v0+s17+$0x0 ss:$0x1], $0xffff;
	[tilespmem:s18+$0x20] =	vst v6;
	s18 =	sadd.s32 $0x800, s18  }
0x32: {  	v2 =	vld.idx.msk [tilespmem:v0+s17+$0x10 ss:$0x1], $0xffff;
	[tilespmem:s18+$0x30] =	vst v7  }
0x33: {  	[tilespmem:s18+$0xFFFFFFC0] =	vst v8;
	v6 =	vld.idx.msk [tilespmem:v0+s17+$0x20 ss:$0x1], $0xffff;
	s17 =	sshra.s32 s19, $0x2;
	s19 =	sadd.s32 $0x200, s19  }
0x34: {  	_ =	sdelay $0x2  }
0x35: {  	[tilespmem:s18+$0xFFFFFFD0] =	vst v5  }
0x36: {  	v56 =	vld.idx.msk [tilespmem:v0+s17+$0x30 ss:$0x1], $0xffff;
	[tilespmem:s18+$0xFFFFFFE0] =	vst v4  }
0x37: {  	v57 =	vld.idx.msk [tilespmem:v0+s17+$0xFFFFFFC0 ss:$0x1], $0xffff;
	[tilespmem:s18+$0xFFFFFFF0] =	vst v3  }
0x38: {  	v58 =	vld.idx.msk [tilespmem:v0+s17+$0xFFFFFFD0 ss:$0x1], $0xffff;
	[tilespmem:s18+$0x0] =	vst v1  }
0x39: {  	v59 =	vld.idx.msk [tilespmem:v0+s17+$0xFFFFFFE0 ss:$0x1], $0xffff;
	[tilespmem:s18+$0x10] =	vst v2  }
0x3a: {  	v60 =	vld.idx.msk [tilespmem:v0+s17+$0xFFFFFFF0 ss:$0x1], $0xffff;
	s31 =	sadd.s32 $0x800, s18;
	[tilespmem:s18+$0x20] =	vst v6  }
0x3b: {  	v61 =	vld.idx.msk [tilespmem:v0+s17+$0x0 ss:$0x1], $0xffff;
	[tilespmem:s31+$0x30] =	vst v56  }
0x3c: {  	v62 =	vld.idx.msk [tilespmem:v0+s17+$0x10 ss:$0x1], $0xffff;
	s16 =	sadd.s32 $0x1, s16;
	[tilespmem:s31+$0xFFFFFFC0] =	vst v57  }
0x3d: {  	v63 =	vld.idx.msk [tilespmem:v0+s17+$0x20 ss:$0x1], $0xffff;
	p1 =	sne.s32 s16, $0x10;
	[tilespmem:s31+$0xFFFFFFD0] =	vst v58  }
.Ltmp4:
0x3e: {  	[tilespmem:s31+$0xFFFFFFE0] =	vst v59;
	(pc) =	sbr.rel @p1 .LBB1_3-.Ltmp4, $4  }
0x3f: {  	[tilespmem:s31+$0xFFFFFFF0] =	vst v60  }
0x40: {  	[tilespmem:s31+$0x0] =	vst v61  }
0x41: {  	[tilespmem:s31+$0x10] =	vst v62  }
0x42: {  	s13 =	sadd.s32 $0x80, s13;
	s15 =	sadd.s32 $0x400, s15;
	[tilespmem:s31+$0x20] =	vst v63  }
.Ltmp5:
0x43: {  	(pc) =	sbr.rel .LBB1_7-.Ltmp5, $4  }
0x44: {  	s12 =	sshll.u32 s12, $0xE;
	s11 =	sshll.u32 s11, $0x4  }
0x45: {  	s11 =	sand.u32 $0x7F0, s11;
	s12 =	sadd.s32 s3, s12  }
0x46: {  	s11 =	sadd.s32 s11, s12  }
0x47: {  	[hbm4b:s11+s6] =	stream.strided.scatter [tilespmem:s14], [sflag:$0x2], $0x4000, s7, s6, $0x38;
	[tilespmem:$0x10000] =	vst v63  }
.LBB1_8:
0x48: {  	_ =	sfence.sel $0x180000  }
0x49: {  	s2 =	simm.s32 $0x1;
	[bflag:$0x0] =	sbarrier.arrive $0xFFFF  }
0x4a: {  	s31 =	simm.s32 $0x2;
	[sflag:s2] =	ssyncpa.u1 $0x1  }
0x4b: {  	[sflag:s31] =	ssyncpa.u1 $0x1  }
0x4c: {  	p0 =	sne.s32 s1, $0x0;
	_ =	strace $0x90000047  }
0x4d: {  	s0 =	sadd.s32 @!p0 $0x100000, s0;
	[bflag:$0x2] =	sbarrier.arrive $0xFFFF  }
0x4e: {  	[sflag:s0] =	ssyncadd.tile.s32 @!p0 $0x1;
	_ =	shalt  }
.Lfunc_end1:
_tile_overlayer_lowered:
.L_overlay_start_2:
0x4f: {  	(tag) =	ssettag $0x2  }
0x50: {  	s0 =	rddreg [dreg:$0x0];
	s2 =	stileid.u32  }
0x51: {  	s1 =	rddreg [dreg:$0x1];
	p0 =	sne.s32 s2, $0x0  }
0x52: {  	s3 =	rddreg [dreg:$0x2];
	[bflag:$0x3] =	sbarrier.arrive $0xFFFF;
	s2 =	simm.s32 @!p0 $0x1C01  }
0x53: {  	[timem:s3], [sflag:s2] =	dma.local @!p0 [hbm:s0], s1  }
0x54: {  	s0 =	simm.s32 @!p0 $0x1  }
0x55: {  	_ =	swait.ge @!p0 [sflag:s0], s1  }
0x56: {  	s1 =	ssub.s32 @!p0 $0x0, s1;
	[sflag:s0] =	ssyncset.done @!p0 $0x0  }
0x57: {  	[sflag:s0] =	ssyncadd.s32 @!p0 s1  }
0x58: {  	[bflag:$0x3] =	sbarrier.arrive $0xFFFF  }
0x59: {  	_ =	shalt  }

</sc_bundles>
